<compile_context>
chip_gen: v7x
topology: tpu7x:2x2x1
jax: 0.10.2.dev20260603
libtpu: 0.0.44.dev20260713+nightly
codegen_flags: <defaults>
</compile_context>

<pallas_src>
import jax
import jax.numpy as jnp
from jax import lax
from jax.experimental import pallas as pl
from jax.experimental.pallas import tpu as pltpu
from jax.experimental.pallas import tpu_sc as plsc

E = 8
D = 768
DP = 1536
N_TOK = 8192
NC = 2
NS = 16
L16 = 16
TPS = N_TOK // (NC * NS)
BM = 256
TPC = 40
P_ROWS = NC * TPC * BM
TP_SLOTS = 80
CH = 64
CCH = 32

_MESH = plsc.VectorSubcoreMesh(core_axis_name="c", subcore_axis_name="s",
                               num_cores=NC, num_subcores=NS)
_CPARAMS = pltpu.CompilerParams(needs_layout_passes=False)


def _route1_body(st_hbm, e1_hbm, e2_hbm, w1_hbm, w2_hbm, cnt_hbm,
                 sbuf, e1b, e2b, w1b, w2b, cntv):
    c = lax.axis_index("c")
    s = lax.axis_index("s")
    wid = c * NS + s
    base = wid * TPS
    ii = lax.iota(jnp.int32, L16)

    for e in range(E):
        pltpu.sync_copy(st_hbm.at[e, pl.ds(base, TPS)], sbuf.at[e])

    def p1(i, cnt):
        sl = pl.ds(i * L16, L16)
        v1 = sbuf[0, sl]
        i1 = jnp.zeros((L16,), jnp.int32)
        v2 = jnp.full((L16,), -jnp.inf, jnp.float32)
        i2 = jnp.zeros((L16,), jnp.int32)
        for e in range(1, E):
            sv = sbuf[e, sl]
            gt1 = sv > v1
            gt2 = sv > v2
            i2 = jnp.where(gt1, i1, jnp.where(gt2, e, i2))
            v2 = jnp.where(gt1, v1, jnp.where(gt2, sv, v2))
            i1 = jnp.where(gt1, e, i1)
            v1 = jnp.where(gt1, sv, v1)
        w1 = 1.0 / (1.0 + jnp.exp(v2 - v1))
        e1b[sl] = i1
        e2b[sl] = i2
        w1b[sl] = w1
        w2b[sl] = 1.0 - w1
        for e in range(E):
            pc = (plsc.all_reduce_population_count(i1 == e)
                  + plsc.all_reduce_population_count(i2 == e))
            cnt = cnt + jnp.where(ii == e, pc, 0)
        return cnt

    cnt = lax.fori_loop(0, TPS // L16, p1, jnp.zeros((L16,), jnp.int32))
    cntv[...] = cnt

    pltpu.sync_copy(e1b, e1_hbm.at[pl.ds(base, TPS)])
    pltpu.sync_copy(e2b, e2_hbm.at[pl.ds(base, TPS)])
    pltpu.sync_copy(w1b, w1_hbm.at[pl.ds(base, TPS)])
    pltpu.sync_copy(w2b, w2_hbm.at[pl.ds(base, TPS)])
    pltpu.sync_copy(cntv, cnt_hbm.at[wid])


@jax.jit
def _route1(scores_t):
    f = pl.kernel(
        _route1_body,
        out_type=(
            jax.ShapeDtypeStruct((N_TOK,), jnp.int32),
            jax.ShapeDtypeStruct((N_TOK,), jnp.int32),
            jax.ShapeDtypeStruct((N_TOK,), jnp.float32),
            jax.ShapeDtypeStruct((N_TOK,), jnp.float32),
            jax.ShapeDtypeStruct((NC * NS, L16), jnp.int32),
        ),
        mesh=_MESH,
        scratch_types=[
            pltpu.VMEM((E, TPS), jnp.float32),
            pltpu.VMEM((TPS,), jnp.int32),
            pltpu.VMEM((TPS,), jnp.int32),
            pltpu.VMEM((TPS,), jnp.float32),
            pltpu.VMEM((TPS,), jnp.float32),
            pltpu.VMEM((L16,), jnp.int32),
        ],
        compiler_params=_CPARAMS,
    )
    return f(scores_t)


def _route2_body(x_hbm, e1_hbm, e2_hbm, cnt_hbm, sorted_hbm, pos1_hbm,
                 pos2_hbm, tpos_hbm, texp_hbm, cntall, e1b, e2b, p1b, p2b,
                 xbuf, idx1b, idx2b, tpb, txb, psem1, psem2, xsem0, xsem1,
                 ssem1, ssem2):
    c = lax.axis_index("c")
    s = lax.axis_index("s")
    base = (c * NS + s) * TPS
    ii = lax.iota(jnp.int32, L16)

    pltpu.sync_copy(cnt_hbm, cntall)
    pltpu.sync_copy(e1_hbm.at[pl.ds(base, TPS)], e1b)
    pltpu.sync_copy(e2_hbm.at[pl.ds(base, TPS)], e2b)

    svec = jnp.zeros((L16,), jnp.int32) + s
    total = jnp.zeros((L16,), jnp.int32)
    before = jnp.zeros((L16,), jnp.int32)

    def acc(sp, carry):
        tot, bef = carry
        row = cntall[c * NS + sp, :]
        tot = tot + row
        bef = bef + jnp.where(jnp.zeros((L16,), jnp.int32) + sp < svec,
                              row, 0)
        return tot, bef

    total, before = lax.fori_loop(0, NS, acc, (total, before))
    pad = ((total + (BM - 1)) >> 8) << 8
    incl = plsc.cumsum(pad)
    off = incl - pad
    start = off + before + c * (TPC * BM)

    @pl.when((c == 0) & (s == 0))
    def _():
        def acc2(sp, carry):
            a0, a1 = carry
            return a0 + cntall[sp, :], a1 + cntall[NS + sp, :]

        z = jnp.zeros((L16,), jnp.int32)
        t0, t1 = lax.fori_loop(0, NS, acc2, (z, z))
        nt0 = (t0 + (BM - 1)) >> 8
        nt1 = (t1 + (BM - 1)) >> 8
        b0 = plsc.cumsum(nt0) - nt0
        b1 = plsc.cumsum(nt1) - nt1 + TPC
        nseg = nt0 + nt1
        s0 = plsc.cumsum(nseg) - nseg
        s1 = s0 + nt0
        for grp in range(TP_SLOTS // L16):
            sv = lax.iota(jnp.int32, L16) + grp * L16
            tp = jnp.full((L16,), NC * TPC - 1, jnp.int32)
            tx = jnp.full((L16,), E, jnp.int32)
            for e in range(E):
                ef = jnp.full((L16,), e, jnp.int32)
                for sstart, bbase, ntv in ((s0, b0, nt0), (s1, b1, nt1)):
                    st = jnp.take(sstart, ef)
                    bb = jnp.take(bbase, ef)
                    nt = jnp.take(ntv, ef)
                    m = (sv >= st) & (sv < st + nt)
                    tp = jnp.where(m, bb + sv - st, tp)
                    tx = jnp.where(m, ef, tx)
            tpb[pl.ds(grp * L16, L16)] = tp
            txb[pl.ds(grp * L16, L16)] = tx
        pltpu.sync_copy(tpb, tpos_hbm)
        pltpu.sync_copy(txb, texp_hbm)

    def p2(i, wcnt):
        sl = pl.ds(i * L16, L16)
        for eb, pb in ((e1b, p1b), (e2b, p2b)):
            ev = eb[sl]
            pos = jnp.zeros((L16,), jnp.int32)
            for e in range(E):
                m = ev == e
                rank = plsc.cumsum(m.astype(jnp.int32)) - 1
                base_e = jnp.take(wcnt, jnp.full((L16,), e, jnp.int32))
                pos = jnp.where(m, base_e + rank, pos)
                wcnt = wcnt + jnp.where(
                    ii == e, plsc.all_reduce_population_count(m), 0)
            pb[sl] = pos
        return wcnt

    lax.fori_loop(0, TPS // L16, p2, start)

    h1 = pltpu.async_copy(p1b, pos1_hbm.at[pl.ds(base, TPS)], psem1)
    h2 = pltpu.async_copy(p2b, pos2_hbm.at[pl.ds(base, TPS)], psem2)

    lx = pltpu.async_copy(x_hbm.at[pl.ds(base, CH)], xbuf.at[0], xsem0)
    for ch in range(TPS // CH):
        b = ch & 1
        if ch + 1 < TPS // CH:
            ln = pltpu.async_copy(
                x_hbm.at[pl.ds(base + (ch + 1) * CH, CH)],
                xbuf.at[1 - b], xsem1 if b == 0 else xsem0)
        for g in range(CH // L16):
            idx1b[pl.ds(g * L16, L16)] = p1b[pl.ds(ch * CH + g * L16, L16)]
            idx2b[pl.ds(g * L16, L16)] = p2b[pl.ds(ch * CH + g * L16, L16)]
        lx.wait()
        s1 = pltpu.async_copy(xbuf.at[b], sorted_hbm.at[idx1b], ssem1)
        s2 = pltpu.async_copy(xbuf.at[b], sorted_hbm.at[idx2b], ssem2)
        s1.wait()
        s2.wait()
        if ch + 1 < TPS // CH:
            lx = ln
    h1.wait()
    h2.wait()


@jax.jit
def _route2(flat, e1, e2, cnt):
    f = pl.kernel(
        _route2_body,
        out_type=(
            jax.ShapeDtypeStruct((P_ROWS, D), jnp.float32),
            jax.ShapeDtypeStruct((N_TOK,), jnp.int32),
            jax.ShapeDtypeStruct((N_TOK,), jnp.int32),
            jax.ShapeDtypeStruct((TP_SLOTS,), jnp.int32),
            jax.ShapeDtypeStruct((TP_SLOTS,), jnp.int32),
        ),
        mesh=_MESH,
        scratch_types=[
            pltpu.VMEM((NC * NS, L16), jnp.int32),
            pltpu.VMEM((TPS,), jnp.int32),
            pltpu.VMEM((TPS,), jnp.int32),
            pltpu.VMEM((TPS,), jnp.int32),
            pltpu.VMEM((TPS,), jnp.int32),
            pltpu.VMEM((2, CH, D), jnp.float32),
            pltpu.VMEM((CH,), jnp.int32),
            pltpu.VMEM((CH,), jnp.int32),
            pltpu.VMEM((TP_SLOTS,), jnp.int32),
            pltpu.VMEM((TP_SLOTS,), jnp.int32),
            pltpu.SemaphoreType.DMA,
            pltpu.SemaphoreType.DMA,
            pltpu.SemaphoreType.DMA,
            pltpu.SemaphoreType.DMA,
            pltpu.SemaphoreType.DMA,
            pltpu.SemaphoreType.DMA,
        ],
        compiler_params=_CPARAMS,
    )
    return f(flat, e1, e2, cnt)


def _mm_body(texp_ref, tpos_ref, x_ref, wu_ref, wd_ref, g_ref, b_ref, o_ref):
    t = pl.program_id(0)

    @pl.when(texp_ref[t] < E)
    def _():
        x = x_ref[...]
        mu = jnp.mean(x, axis=-1, keepdims=True)
        var = jnp.mean((x - mu) ** 2, axis=-1, keepdims=True)
        xn = (x - mu) * jax.lax.rsqrt(var + 1e-5)
        h = xn * g_ref[0] + b_ref[0]
        u = jnp.dot(h.astype(jnp.bfloat16), wu_ref[0],
                    preferred_element_type=jnp.float32)
        a = u[:, :DP]
        cc = u[:, DP:]
        gated = a * (cc * jax.nn.sigmoid(cc))
        o_ref[...] = jnp.dot(gated.astype(jnp.bfloat16), wd_ref[0],
                             preferred_element_type=jnp.float32)


@jax.jit
def _expert_mm(sorted_x, texp, tpos, wu_bf, wd_bf, gamma3, beta3):
    grid = (NC * TPC,)

    def eidx(t, texp_ref, tpos_ref):
        return jnp.minimum(texp_ref[t], E - 1)

    def pidx(t, texp_ref, tpos_ref):
        return tpos_ref[t]

    return pl.pallas_call(
        _mm_body,
        grid_spec=pltpu.PrefetchScalarGridSpec(
            num_scalar_prefetch=2,
            grid=grid,
            in_specs=[
                pl.BlockSpec((BM, D), lambda t, xr, pr: (pidx(t, xr, pr), 0)),
                pl.BlockSpec((1, D, 2 * DP),
                             lambda t, xr, pr: (eidx(t, xr, pr), 0, 0)),
                pl.BlockSpec((1, DP, D),
                             lambda t, xr, pr: (eidx(t, xr, pr), 0, 0)),
                pl.BlockSpec((1, 1, D),
                             lambda t, xr, pr: (eidx(t, xr, pr), 0, 0)),
                pl.BlockSpec((1, 1, D),
                             lambda t, xr, pr: (eidx(t, xr, pr), 0, 0)),
            ],
            out_specs=pl.BlockSpec((BM, D),
                                   lambda t, xr, pr: (pidx(t, xr, pr), 0)),
        ),
        out_shape=jax.ShapeDtypeStruct((P_ROWS, D), jnp.float32),
        compiler_params=pltpu.CompilerParams(
            dimension_semantics=("arbitrary",),
        ),
    )(texp, tpos, sorted_x, wu_bf, wd_bf, gamma3, beta3)


def _combine_body(x_hbm, y_hbm, pos1_hbm, pos2_hbm, w1_hbm, w2_hbm, out_hbm,
                  xb, y1b, y2b, i1b, i2b, w1v, w2v,
                  s1, s2, s3, s4, s5, s6, s7):
    base = (lax.axis_index("c") * NS + lax.axis_index("s")) * TPS

    def chunk(ch, _):
        cb = base + ch * CCH
        c1 = pltpu.async_copy(pos1_hbm.at[pl.ds(cb, CCH)], i1b, s1)
        c2 = pltpu.async_copy(pos2_hbm.at[pl.ds(cb, CCH)], i2b, s2)
        c3 = pltpu.async_copy(w1_hbm.at[pl.ds(cb, CCH)], w1v, s3)
        c4 = pltpu.async_copy(w2_hbm.at[pl.ds(cb, CCH)], w2v, s4)
        c5 = pltpu.async_copy(x_hbm.at[pl.ds(cb, CCH)], xb, s5)
        c1.wait()
        c2.wait()
        g1 = pltpu.async_copy(y_hbm.at[i1b], y1b, s6)
        g2 = pltpu.async_copy(y_hbm.at[i2b], y2b, s7)
        c3.wait()
        c4.wait()
        c5.wait()
        g1.wait()
        g2.wait()

        def per_tok(j, _):
            jv = jnp.zeros((L16,), jnp.int32) + j
            w1bc = plsc.load_gather(w1v, [jv])
            w2bc = plsc.load_gather(w2v, [jv])
            for k in range(D // L16):
                sl = pl.ds(k * L16, L16)
                xb[j, sl] = (xb[j, sl] + w1bc * y1b[j, sl]
                             + w2bc * y2b[j, sl])
            return 0

        lax.fori_loop(0, CCH, per_tok, 0)
        pltpu.sync_copy(xb, out_hbm.at[pl.ds(cb, CCH)])
        return 0

    lax.fori_loop(0, TPS // CCH, chunk, 0)


@jax.jit
def _combine(flat, y, pos1, pos2, w1, w2):
    f = pl.kernel(
        _combine_body,
        out_type=jax.ShapeDtypeStruct((N_TOK, D), jnp.float32),
        mesh=_MESH,
        scratch_types=[
            pltpu.VMEM((CCH, D), jnp.float32),
            pltpu.VMEM((CCH, D), jnp.float32),
            pltpu.VMEM((CCH, D), jnp.float32),
            pltpu.VMEM((CCH,), jnp.int32),
            pltpu.VMEM((CCH,), jnp.int32),
            pltpu.VMEM((CCH,), jnp.float32),
            pltpu.VMEM((CCH,), jnp.float32),
        ] + [pltpu.SemaphoreType.DMA] * 7,
        compiler_params=_CPARAMS,
    )
    return f(flat, y, pos1, pos2, w1, w2)


def kernel(hidden_states, scores, W_up, W_down, gamma, beta):
    B, L, Dm = hidden_states.shape
    flat = hidden_states.reshape(B * L, Dm)
    st = scores.reshape(B * L, E).T
    e1, e2, w1, w2, cnt = _route1(st)
    sorted_x, pos1, pos2, tpos, texp = _route2(flat, e1, e2, cnt)
    y = _expert_mm(sorted_x, texp, tpos, W_up.astype(jnp.bfloat16),
                   W_down.astype(jnp.bfloat16), gamma.reshape(E, 1, D),
                   beta.reshape(E, 1, D))
    out = _combine(flat, y, pos1, pos2, w1, w2)
    return out.reshape(B, L, Dm)

# --- scband reference (transcript-rebuilt; emitter-appended) ---
"""Pipeline reference for scband-m-lstmmo-eblock-65335042507337 (READ-ONLY COPY).

The authoritative reference and input builder live on the scoring server;
editing this copy changes nothing except your own understanding.
"""

import jax, jax.numpy as jnp
import numpy as np

E = 8
TOPK = 2
D = 768
DP = 2 * D  # proj_factor = 2


def _layernorm(x, g, b, eps=1e-5):
    mu = jnp.mean(x, axis=-1, keepdims=True)
    var = jnp.var(x, axis=-1, keepdims=True)
    return (x - mu) / jnp.sqrt(var + eps) * g + b


def _expert(x, w_up, w_down, g, b):
    # simplified per-token mLSTM block: LN -> gated up-projection (SiLU gate) -> down-projection + residual
    h = _layernorm(x, g, b)
    u = h @ w_up
    a, c = jnp.split(u, 2, axis=-1)
    gated = a * jax.nn.silu(c)
    return gated @ w_down + x


def setup_inputs(seed: int = 0) -> dict:
    key = jax.random.key(seed)
    ks = jax.random.split(key, 6)
    hidden_states = jax.random.normal(ks[0], (2, 4096, D), dtype=jnp.float32)
    scores = jax.random.normal(ks[1], (2, 4096, E), dtype=jnp.float32)
    W_up = jax.random.normal(ks[2], (E, D, 2 * DP), dtype=jnp.float32) * 0.02
    W_down = jax.random.normal(ks[3], (E, DP, D), dtype=jnp.float32) * 0.02
    gamma = jnp.ones((E, D), dtype=jnp.float32)
    beta = jnp.zeros((E, D), dtype=jnp.float32)
    return {"hidden_states": hidden_states, "scores": scores, "W_up": W_up, "W_down": W_down, "gamma": gamma, "beta": beta}


def reference(hidden_states, scores, W_up, W_down, gamma, beta):
    B, L, Dm = hidden_states.shape
    N = B * L
    flat = hidden_states.reshape(N, Dm)
    top_vals, top_idx = jax.lax.top_k(scores, TOPK)
    weights = jax.nn.softmax(top_vals, axis=-1).reshape(N, TOPK)
    idx_flat = top_idx.reshape(N, TOPK)
    output = jnp.zeros((N, Dm), dtype=jnp.float32)
    for i in range(TOPK):
        eidx = idx_flat[:, i]
        for e in range(E):
            mask = (eidx == e)
            out_e = _expert(flat, W_up[e], W_down[e], gamma[e], beta[e])
            contrib = jnp.where(mask[:, None], out_e * weights[:, i][:, None], 0.0)
            output = output + contrib
    return output.reshape(B, L, Dm)

if __name__ == "__main__":
    import jax
    _d = setup_inputs()
    print(jax.jit(kernel)(*tuple(_d.values())))

</pallas_src>

<mosaic_0001>
#map = affine_map<(d0, d1) -> (0, 0)>
#map1 = affine_map<(d0, d1) -> (0)>
module attributes {stable_mosaic.version = 14 : i64} {
  func.func @_route1_body(%arg0: i32, %arg1: i32, %arg2: memref<8x8192xf32, #tpu.memory_space<hbm>>, %arg3: memref<8192xi32, #tpu.memory_space<hbm>>, %arg4: memref<8192xi32, #tpu.memory_space<hbm>>, %arg5: memref<8192xf32, #tpu.memory_space<hbm>>, %arg6: memref<8192xf32, #tpu.memory_space<hbm>>, %arg7: memref<32x16xi32, #tpu.memory_space<hbm>>, %arg8: memref<8x256xf32, #tpu.memory_space<vmem>>, %arg9: memref<256xi32, #tpu.memory_space<vmem>>, %arg10: memref<256xi32, #tpu.memory_space<vmem>>, %arg11: memref<256xf32, #tpu.memory_space<vmem>>, %arg12: memref<256xf32, #tpu.memory_space<vmem>>, %arg13: memref<16xi32, #tpu.memory_space<vmem>>) attributes {dimension_semantics = [#tpu.dimension_semantics<core_parallel>, #tpu.dimension_semantics<subcore_parallel>], iteration_bounds = array<i64: 2, 16>, scalar_prefetch = 0 : i64, scratch_operands = 6 : i64, tpu.core_type = #tpu.core_type<sc_vector_subcore>, window_params = [{transform_indices = #map}, {transform_indices = #map1}, {transform_indices = #map1}, {transform_indices = #map1}, {transform_indices = #map1}, {transform_indices = #map}]} {
    %mul3A = arith.constant 16 : i32
    %mul3A_0 = arith.muli %arg0, %mul3A : i32
    %add3A = arith.addi %mul3A_0, %arg1 : i32
    %mul3A_1 = arith.constant 256 : i32
    %mul3A_2 = arith.muli %add3A, %mul3A_1 : i32
    %iota3A = tpu.iota {dimensions = array<i32: 0>} : vector<16xi32>
    %run_scoped3A = arith.constant 0 : i32
    %run_scoped3A_3 = arith.constant 0 : i32
    "tpu.region"() ({
      %run_scoped3A_25 = tpu.sem_alloc : memref<!tpu.dma_semaphore, #tpu.memory_space<semaphore_mem>>
      %dma_start3A = arith.constant 0 : i32
      %dma_start3A_26 = tpu.memref_slice %arg8[%run_scoped3A_3, %dma_start3A] : memref<8x256xf32, #tpu.memory_space<vmem>> -> memref<1x256xf32, #tpu.memory_space<vmem>>
      %dma_start3A_27 = tpu.memref_squeeze %dma_start3A_26 : memref<1x256xf32, #tpu.memory_space<vmem>> -> memref<256xf32, #tpu.memory_space<vmem>>
      %dma_start3A_28 = tpu.memref_slice %arg2[%run_scoped3A, %mul3A_2] : memref<8x8192xf32, #tpu.memory_space<hbm>> -> memref<1x256xf32, #tpu.memory_space<hbm>>
      %dma_start3A_29 = tpu.memref_squeeze %dma_start3A_28 : memref<1x256xf32, #tpu.memory_space<hbm>> -> memref<256xf32, #tpu.memory_space<hbm>>
      %dma_start3A_30 = arith.constant 0 : i32
      %dma_start3A_31 = tpu.memref_slice %arg8[%run_scoped3A_3, %dma_start3A_30] : memref<8x256xf32, #tpu.memory_space<vmem>> -> memref<1x256xf32, #tpu.memory_space<vmem>>
      %dma_start3A_32 = tpu.memref_squeeze %dma_start3A_31 : memref<1x256xf32, #tpu.memory_space<vmem>> -> memref<256xf32, #tpu.memory_space<vmem>>
      %dma_start3A_33 = tpu.memref_slice %arg2[%run_scoped3A, %mul3A_2] : memref<8x8192xf32, #tpu.memory_space<hbm>> -> memref<1x256xf32, #tpu.memory_space<hbm>>
      %dma_start3A_34 = tpu.memref_squeeze %dma_start3A_33 : memref<1x256xf32, #tpu.memory_space<hbm>> -> memref<256xf32, #tpu.memory_space<hbm>>
      tpu.enqueue_dma source(%dma_start3A_34 : memref<256xf32, #tpu.memory_space<hbm>>) target(%dma_start3A_32 : memref<256xf32, #tpu.memory_space<vmem>>) target_semaphore(%run_scoped3A_25 : memref<!tpu.dma_semaphore, #tpu.memory_space<semaphore_mem>>)
      %dma_wait3A = arith.constant 0 : i32
      %dma_wait3A_35 = tpu.memref_slice %arg8[%run_scoped3A_3, %dma_wait3A] : memref<8x256xf32, #tpu.memory_space<vmem>> -> memref<1x256xf32, #tpu.memory_space<vmem>>
      %dma_wait3A_36 = tpu.memref_squeeze %dma_wait3A_35 : memref<1x256xf32, #tpu.memory_space<vmem>> -> memref<256xf32, #tpu.memory_space<vmem>>
      %dma_wait3A_37 = tpu.memref_slice %arg2[%run_scoped3A, %mul3A_2] : memref<8x8192xf32, #tpu.memory_space<hbm>> -> memref<1x256xf32, #tpu.memory_space<hbm>>
      %dma_wait3A_38 = tpu.memref_squeeze %dma_wait3A_37 : memref<1x256xf32, #tpu.memory_space<hbm>> -> memref<256xf32, #tpu.memory_space<hbm>>
      %dma_wait3A_39 = arith.constant 0 : i32
      %dma_wait3A_40 = tpu.memref_slice %arg8[%run_scoped3A_3, %dma_wait3A_39] : memref<8x256xf32, #tpu.memory_space<vmem>> -> memref<1x256xf32, #tpu.memory_space<vmem>>
      %dma_wait3A_41 = tpu.memref_squeeze %dma_wait3A_40 : memref<1x256xf32, #tpu.memory_space<vmem>> -> memref<256xf32, #tpu.memory_space<vmem>>
      %dma_wait3A_42 = tpu.memref_slice %arg2[%run_scoped3A, %mul3A_2] : memref<8x8192xf32, #tpu.memory_space<hbm>> -> memref<1x256xf32, #tpu.memory_space<hbm>>
      %dma_wait3A_43 = tpu.memref_squeeze %dma_wait3A_42 : memref<1x256xf32, #tpu.memory_space<hbm>> -> memref<256xf32, #tpu.memory_space<hbm>>
      tpu.wait_dma2 semaphore(%run_scoped3A_25 : memref<!tpu.dma_semaphore, #tpu.memory_space<semaphore_mem>>) src(%dma_wait3A_43 : memref<256xf32, #tpu.memory_space<hbm>>) dst(%dma_wait3A_41 : memref<256xf32, #tpu.memory_space<vmem>>)
      tpu.yield
    }) : () -> ()
    %run_scoped3A_4 = arith.constant 1 : i32
    %run_scoped3A_5 = arith.constant 1 : i32
    "tpu.region"() ({
      %run_scoped3A_25 = tpu.sem_alloc : memref<!tpu.dma_semaphore, #tpu.memory_space<semaphore_mem>>
      %dma_start3A = arith.constant 0 : i32
      %dma_start3A_26 = tpu.memref_slice %arg8[%run_scoped3A_5, %dma_start3A] : memref<8x256xf32, #tpu.memory_space<vmem>> -> memref<1x256xf32, #tpu.memory_space<vmem>>
      %dma_start3A_27 = tpu.memref_squeeze %dma_start3A_26 : memref<1x256xf32, #tpu.memory_space<vmem>> -> memref<256xf32, #tpu.memory_space<vmem>>
      %dma_start3A_28 = tpu.memref_slice %arg2[%run_scoped3A_4, %mul3A_2] : memref<8x8192xf32, #tpu.memory_space<hbm>> -> memref<1x256xf32, #tpu.memory_space<hbm>>
      %dma_start3A_29 = tpu.memref_squeeze %dma_start3A_28 : memref<1x256xf32, #tpu.memory_space<hbm>> -> memref<256xf32, #tpu.memory_space<hbm>>
      %dma_start3A_30 = arith.constant 0 : i32
      %dma_start3A_31 = tpu.memref_slice %arg8[%run_scoped3A_5, %dma_start3A_30] : memref<8x256xf32, #tpu.memory_space<vmem>> -> memref<1x256xf32, #tpu.memory_space<vmem>>
      %dma_start3A_32 = tpu.memref_squeeze %dma_start3A_31 : memref<1x256xf32, #tpu.memory_space<vmem>> -> memref<256xf32, #tpu.memory_space<vmem>>
      %dma_start3A_33 = tpu.memref_slice %arg2[%run_scoped3A_4, %mul3A_2] : memref<8x8192xf32, #tpu.memory_space<hbm>> -> memref<1x256xf32, #tpu.memory_space<hbm>>
      %dma_start3A_34 = tpu.memref_squeeze %dma_start3A_33 : memref<1x256xf32, #tpu.memory_space<hbm>> -> memref<256xf32, #tpu.memory_space<hbm>>
      tpu.enqueue_dma source(%dma_start3A_34 : memref<256xf32, #tpu.memory_space<hbm>>) target(%dma_start3A_32 : memref<256xf32, #tpu.memory_space<vmem>>) target_semaphore(%run_scoped3A_25 : memref<!tpu.dma_semaphore, #tpu.memory_space<semaphore_mem>>)
      %dma_wait3A = arith.constant 0 : i32
      %dma_wait3A_35 = tpu.memref_slice %arg8[%run_scoped3A_5, %dma_wait3A] : memref<8x256xf32, #tpu.memory_space<vmem>> -> memref<1x256xf32, #tpu.memory_space<vmem>>
      %dma_wait3A_36 = tpu.memref_squeeze %dma_wait3A_35 : memref<1x256xf32, #tpu.memory_space<vmem>> -> memref<256xf32, #tpu.memory_space<vmem>>
      %dma_wait3A_37 = tpu.memref_slice %arg2[%run_scoped3A_4, %mul3A_2] : memref<8x8192xf32, #tpu.memory_space<hbm>> -> memref<1x256xf32, #tpu.memory_space<hbm>>
      %dma_wait3A_38 = tpu.memref_squeeze %dma_wait3A_37 : memref<1x256xf32, #tpu.memory_space<hbm>> -> memref<256xf32, #tpu.memory_space<hbm>>
      %dma_wait3A_39 = arith.constant 0 : i32
      %dma_wait3A_40 = tpu.memref_slice %arg8[%run_scoped3A_5, %dma_wait3A_39] : memref<8x256xf32, #tpu.memory_space<vmem>> -> memref<1x256xf32, #tpu.memory_space<vmem>>
      %dma_wait3A_41 = tpu.memref_squeeze %dma_wait3A_40 : memref<1x256xf32, #tpu.memory_space<vmem>> -> memref<256xf32, #tpu.memory_space<vmem>>
      %dma_wait3A_42 = tpu.memref_slice %arg2[%run_scoped3A_4, %mul3A_2] : memref<8x8192xf32, #tpu.memory_space<hbm>> -> memref<1x256xf32, #tpu.memory_space<hbm>>
      %dma_wait3A_43 = tpu.memref_squeeze %dma_wait3A_42 : memref<1x256xf32, #tpu.memory_space<hbm>> -> memref<256xf32, #tpu.memory_space<hbm>>
      tpu.wait_dma2 semaphore(%run_scoped3A_25 : memref<!tpu.dma_semaphore, #tpu.memory_space<semaphore_mem>>) src(%dma_wait3A_43 : memref<256xf32, #tpu.memory_space<hbm>>) dst(%dma_wait3A_41 : memref<256xf32, #tpu.memory_space<vmem>>)
      tpu.yield
    }) : () -> ()
    %run_scoped3A_6 = arith.constant 2 : i32
    %run_scoped3A_7 = arith.constant 2 : i32
    "tpu.region"() ({
      %run_scoped3A_25 = tpu.sem_alloc : memref<!tpu.dma_semaphore, #tpu.memory_space<semaphore_mem>>
      %dma_start3A = arith.constant 0 : i32
      %dma_start3A_26 = tpu.memref_slice %arg8[%run_scoped3A_7, %dma_start3A] : memref<8x256xf32, #tpu.memory_space<vmem>> -> memref<1x256xf32, #tpu.memory_space<vmem>>
      %dma_start3A_27 = tpu.memref_squeeze %dma_start3A_26 : memref<1x256xf32, #tpu.memory_space<vmem>> -> memref<256xf32, #tpu.memory_space<vmem>>
      %dma_start3A_28 = tpu.memref_slice %arg2[%run_scoped3A_6, %mul3A_2] : memref<8x8192xf32, #tpu.memory_space<hbm>> -> memref<1x256xf32, #tpu.memory_space<hbm>>
      %dma_start3A_29 = tpu.memref_squeeze %dma_start3A_28 : memref<1x256xf32, #tpu.memory_space<hbm>> -> memref<256xf32, #tpu.memory_space<hbm>>
      %dma_start3A_30 = arith.constant 0 : i32
      %dma_start3A_31 = tpu.memref_slice %arg8[%run_scoped3A_7, %dma_start3A_30] : memref<8x256xf32, #tpu.memory_space<vmem>> -> memref<1x256xf32, #tpu.memory_space<vmem>>
      %dma_start3A_32 = tpu.memref_squeeze %dma_start3A_31 : memref<1x256xf32, #tpu.memory_space<vmem>> -> memref<256xf32, #tpu.memory_space<vmem>>
      %dma_start3A_33 = tpu.memref_slice %arg2[%run_scoped3A_6, %mul3A_2] : memref<8x8192xf32, #tpu.memory_space<hbm>> -> memref<1x256xf32, #tpu.memory_space<hbm>>
      %dma_start3A_34 = tpu.memref_squeeze %dma_start3A_33 : memref<1x256xf32, #tpu.memory_space<hbm>> -> memref<256xf32, #tpu.memory_space<hbm>>
      tpu.enqueue_dma source(%dma_start3A_34 : memref<256xf32, #tpu.memory_space<hbm>>) target(%dma_start3A_32 : memref<256xf32, #tpu.memory_space<vmem>>) target_semaphore(%run_scoped3A_25 : memref<!tpu.dma_semaphore, #tpu.memory_space<semaphore_mem>>)
      %dma_wait3A = arith.constant 0 : i32
      %dma_wait3A_35 = tpu.memref_slice %arg8[%run_scoped3A_7, %dma_wait3A] : memref<8x256xf32, #tpu.memory_space<vmem>> -> memref<1x256xf32, #tpu.memory_space<vmem>>
      %dma_wait3A_36 = tpu.memref_squeeze %dma_wait3A_35 : memref<1x256xf32, #tpu.memory_space<vmem>> -> memref<256xf32, #tpu.memory_space<vmem>>
      %dma_wait3A_37 = tpu.memref_slice %arg2[%run_scoped3A_6, %mul3A_2] : memref<8x8192xf32, #tpu.memory_space<hbm>> -> memref<1x256xf32, #tpu.memory_space<hbm>>
      %dma_wait3A_38 = tpu.memref_squeeze %dma_wait3A_37 : memref<1x256xf32, #tpu.memory_space<hbm>> -> memref<256xf32, #tpu.memory_space<hbm>>
      %dma_wait3A_39 = arith.constant 0 : i32
      %dma_wait3A_40 = tpu.memref_slice %arg8[%run_scoped3A_7, %dma_wait3A_39] : memref<8x256xf32, #tpu.memory_space<vmem>> -> memref<1x256xf32, #tpu.memory_space<vmem>>
      %dma_wait3A_41 = tpu.memref_squeeze %dma_wait3A_40 : memref<1x256xf32, #tpu.memory_space<vmem>> -> memref<256xf32, #tpu.memory_space<vmem>>
      %dma_wait3A_42 = tpu.memref_slice %arg2[%run_scoped3A_6, %mul3A_2] : memref<8x8192xf32, #tpu.memory_space<hbm>> -> memref<1x256xf32, #tpu.memory_space<hbm>>
      %dma_wait3A_43 = tpu.memref_squeeze %dma_wait3A_42 : memref<1x256xf32, #tpu.memory_space<hbm>> -> memref<256xf32, #tpu.memory_space<hbm>>
      tpu.wait_dma2 semaphore(%run_scoped3A_25 : memref<!tpu.dma_semaphore, #tpu.memory_space<semaphore_mem>>) src(%dma_wait3A_43 : memref<256xf32, #tpu.memory_space<hbm>>) dst(%dma_wait3A_41 : memref<256xf32, #tpu.memory_space<vmem>>)
      tpu.yield
    }) : () -> ()
    %run_scoped3A_8 = arith.constant 3 : i32
    %run_scoped3A_9 = arith.constant 3 : i32
    "tpu.region"() ({
      %run_scoped3A_25 = tpu.sem_alloc : memref<!tpu.dma_semaphore, #tpu.memory_space<semaphore_mem>>
      %dma_start3A = arith.constant 0 : i32
      %dma_start3A_26 = tpu.memref_slice %arg8[%run_scoped3A_9, %dma_start3A] : memref<8x256xf32, #tpu.memory_space<vmem>> -> memref<1x256xf32, #tpu.memory_space<vmem>>
      %dma_start3A_27 = tpu.memref_squeeze %dma_start3A_26 : memref<1x256xf32, #tpu.memory_space<vmem>> -> memref<256xf32, #tpu.memory_space<vmem>>
      %dma_start3A_28 = tpu.memref_slice %arg2[%run_scoped3A_8, %mul3A_2] : memref<8x8192xf32, #tpu.memory_space<hbm>> -> memref<1x256xf32, #tpu.memory_space<hbm>>
      %dma_start3A_29 = tpu.memref_squeeze %dma_start3A_28 : memref<1x256xf32, #tpu.memory_space<hbm>> -> memref<256xf32, #tpu.memory_space<hbm>>
      %dma_start3A_30 = arith.constant 0 : i32
      %dma_start3A_31 = tpu.memref_slice %arg8[%run_scoped3A_9, %dma_start3A_30] : memref<8x256xf32, #tpu.memory_space<vmem>> -> memref<1x256xf32, #tpu.memory_space<vmem>>
      %dma_start3A_32 = tpu.memref_squeeze %dma_start3A_31 : memref<1x256xf32, #tpu.memory_space<vmem>> -> memref<256xf32, #tpu.memory_space<vmem>>
      %dma_start3A_33 = tpu.memref_slice %arg2[%run_scoped3A_8, %mul3A_2] : memref<8x8192xf32, #tpu.memory_space<hbm>> -> memref<1x256xf32, #tpu.memory_space<hbm>>
      %dma_start3A_34 = tpu.memref_squeeze %dma_start3A_33 : memref<1x256xf32, #tpu.memory_space<hbm>> -> memref<256xf32, #tpu.memory_space<hbm>>
      tpu.enqueue_dma source(%dma_start3A_34 : memref<256xf32, #tpu.memory_space<hbm>>) target(%dma_start3A_32 : memref<256xf32, #tpu.memory_space<vmem>>) target_semaphore(%run_scoped3A_25 : memref<!tpu.dma_semaphore, #tpu.memory_space<semaphore_mem>>)
      %dma_wait3A = arith.constant 0 : i32
      %dma_wait3A_35 = tpu.memref_slice %arg8[%run_scoped3A_9, %dma_wait3A] : memref<8x256xf32, #tpu.memory_space<vmem>> -> memref<1x256xf32, #tpu.memory_space<vmem>>
      %dma_wait3A_36 = tpu.memref_squeeze %dma_wait3A_35 : memref<1x256xf32, #tpu.memory_space<vmem>> -> memref<256xf32, #tpu.memory_space<vmem>>
      %dma_wait3A_37 = tpu.memref_slice %arg2[%run_scoped3A_8, %mul3A_2] : memref<8x8192xf32, #tpu.memory_space<hbm>> -> memref<1x256xf32, #tpu.memory_space<hbm>>
      %dma_wait3A_38 = tpu.memref_squeeze %dma_wait3A_37 : memref<1x256xf32, #tpu.memory_space<hbm>> -> memref<256xf32, #tpu.memory_space<hbm>>
      %dma_wait3A_39 = arith.constant 0 : i32
      %dma_wait3A_40 = tpu.memref_slice %arg8[%run_scoped3A_9, %dma_wait3A_39] : memref<8x256xf32, #tpu.memory_space<vmem>> -> memref<1x256xf32, #tpu.memory_space<vmem>>
      %dma_wait3A_41 = tpu.memref_squeeze %dma_wait3A_40 : memref<1x256xf32, #tpu.memory_space<vmem>> -> memref<256xf32, #tpu.memory_space<vmem>>
      %dma_wait3A_42 = tpu.memref_slice %arg2[%run_scoped3A_8, %mul3A_2] : memref<8x8192xf32, #tpu.memory_space<hbm>> -> memref<1x256xf32, #tpu.memory_space<hbm>>
      %dma_wait3A_43 = tpu.memref_squeeze %dma_wait3A_42 : memref<1x256xf32, #tpu.memory_space<hbm>> -> memref<256xf32, #tpu.memory_space<hbm>>
      tpu.wait_dma2 semaphore(%run_scoped3A_25 : memref<!tpu.dma_semaphore, #tpu.memory_space<semaphore_mem>>) src(%dma_wait3A_43 : memref<256xf32, #tpu.memory_space<hbm>>) dst(%dma_wait3A_41 : memref<256xf32, #tpu.memory_space<vmem>>)
      tpu.yield
    }) : () -> ()
    %run_scoped3A_10 = arith.constant 4 : i32
    %run_scoped3A_11 = arith.constant 4 : i32
    "tpu.region"() ({
      %run_scoped3A_25 = tpu.sem_alloc : memref<!tpu.dma_semaphore, #tpu.memory_space<semaphore_mem>>
      %dma_start3A = arith.constant 0 : i32
      %dma_start3A_26 = tpu.memref_slice %arg8[%run_scoped3A_11, %dma_start3A] : memref<8x256xf32, #tpu.memory_space<vmem>> -> memref<1x256xf32, #tpu.memory_space<vmem>>
      %dma_start3A_27 = tpu.memref_squeeze %dma_start3A_26 : memref<1x256xf32, #tpu.memory_space<vmem>> -> memref<256xf32, #tpu.memory_space<vmem>>
      %dma_start3A_28 = tpu.memref_slice %arg2[%run_scoped3A_10, %mul3A_2] : memref<8x8192xf32, #tpu.memory_space<hbm>> -> memref<1x256xf32, #tpu.memory_space<hbm>>
      %dma_start3A_29 = tpu.memref_squeeze %dma_start3A_28 : memref<1x256xf32, #tpu.memory_space<hbm>> -> memref<256xf32, #tpu.memory_space<hbm>>
      %dma_start3A_30 = arith.constant 0 : i32
      %dma_start3A_31 = tpu.memref_slice %arg8[%run_scoped3A_11, %dma_start3A_30] : memref<8x256xf32, #tpu.memory_space<vmem>> -> memref<1x256xf32, #tpu.memory_space<vmem>>
      %dma_start3A_32 = tpu.memref_squeeze %dma_start3A_31 : memref<1x256xf32, #tpu.memory_space<vmem>> -> memref<256xf32, #tpu.memory_space<vmem>>
      %dma_start3A_33 = tpu.memref_slice %arg2[%run_scoped3A_10, %mul3A_2] : memref<8x8192xf32, #tpu.memory_space<hbm>> -> memref<1x256xf32, #tpu.memory_space<hbm>>
      %dma_start3A_34 = tpu.memref_squeeze %dma_start3A_33 : memref<1x256xf32, #tpu.memory_space<hbm>> -> memref<256xf32, #tpu.memory_space<hbm>>
      tpu.enqueue_dma source(%dma_start3A_34 : memref<256xf32, #tpu.memory_space<hbm>>) target(%dma_start3A_32 : memref<256xf32, #tpu.memory_space<vmem>>) target_semaphore(%run_scoped3A_25 : memref<!tpu.dma_semaphore, #tpu.memory_space<semaphore_mem>>)
      %dma_wait3A = arith.constant 0 : i32
      %dma_wait3A_35 = tpu.memref_slice %arg8[%run_scoped3A_11, %dma_wait3A] : memref<8x256xf32, #tpu.memory_space<vmem>> -> memref<1x256xf32, #tpu.memory_space<vmem>>
      %dma_wait3A_36 = tpu.memref_squeeze %dma_wait3A_35 : memref<1x256xf32, #tpu.memory_space<vmem>> -> memref<256xf32, #tpu.memory_space<vmem>>
      %dma_wait3A_37 = tpu.memref_slice %arg2[%run_scoped3A_10, %mul3A_2] : memref<8x8192xf32, #tpu.memory_space<hbm>> -> memref<1x256xf32, #tpu.memory_space<hbm>>
      %dma_wait3A_38 = tpu.memref_squeeze %dma_wait3A_37 : memref<1x256xf32, #tpu.memory_space<hbm>> -> memref<256xf32, #tpu.memory_space<hbm>>
      %dma_wait3A_39 = arith.constant 0 : i32
      %dma_wait3A_40 = tpu.memref_slice %arg8[%run_scoped3A_11, %dma_wait3A_39] : memref<8x256xf32, #tpu.memory_space<vmem>> -> memref<1x256xf32, #tpu.memory_space<vmem>>
      %dma_wait3A_41 = tpu.memref_squeeze %dma_wait3A_40 : memref<1x256xf32, #tpu.memory_space<vmem>> -> memref<256xf32, #tpu.memory_space<vmem>>
      %dma_wait3A_42 = tpu.memref_slice %arg2[%run_scoped3A_10, %mul3A_2] : memref<8x8192xf32, #tpu.memory_space<hbm>> -> memref<1x256xf32, #tpu.memory_space<hbm>>
      %dma_wait3A_43 = tpu.memref_squeeze %dma_wait3A_42 : memref<1x256xf32, #tpu.memory_space<hbm>> -> memref<256xf32, #tpu.memory_space<hbm>>
      tpu.wait_dma2 semaphore(%run_scoped3A_25 : memref<!tpu.dma_semaphore, #tpu.memory_space<semaphore_mem>>) src(%dma_wait3A_43 : memref<256xf32, #tpu.memory_space<hbm>>) dst(%dma_wait3A_41 : memref<256xf32, #tpu.memory_space<vmem>>)
      tpu.yield
    }) : () -> ()
    %run_scoped3A_12 = arith.constant 5 : i32
    %run_scoped3A_13 = arith.constant 5 : i32
    "tpu.region"() ({
      %run_scoped3A_25 = tpu.sem_alloc : memref<!tpu.dma_semaphore, #tpu.memory_space<semaphore_mem>>
      %dma_start3A = arith.constant 0 : i32
      %dma_start3A_26 = tpu.memref_slice %arg8[%run_scoped3A_13, %dma_start3A] : memref<8x256xf32, #tpu.memory_space<vmem>> -> memref<1x256xf32, #tpu.memory_space<vmem>>
      %dma_start3A_27 = tpu.memref_squeeze %dma_start3A_26 : memref<1x256xf32, #tpu.memory_space<vmem>> -> memref<256xf32, #tpu.memory_space<vmem>>
      %dma_start3A_28 = tpu.memref_slice %arg2[%run_scoped3A_12, %mul3A_2] : memref<8x8192xf32, #tpu.memory_space<hbm>> -> memref<1x256xf32, #tpu.memory_space<hbm>>
      %dma_start3A_29 = tpu.memref_squeeze %dma_start3A_28 : memref<1x256xf32, #tpu.memory_space<hbm>> -> memref<256xf32, #tpu.memory_space<hbm>>
      %dma_start3A_30 = arith.constant 0 : i32
      %dma_start3A_31 = tpu.memref_slice %arg8[%run_scoped3A_13, %dma_start3A_30] : memref<8x256xf32, #tpu.memory_space<vmem>> -> memref<1x256xf32, #tpu.memory_space<vmem>>
      %dma_start3A_32 = tpu.memref_squeeze %dma_start3A_31 : memref<1x256xf32, #tpu.memory_space<vmem>> -> memref<256xf32, #tpu.memory_space<vmem>>
      %dma_start3A_33 = tpu.memref_slice %arg2[%run_scoped3A_12, %mul3A_2] : memref<8x8192xf32, #tpu.memory_space<hbm>> -> memref<1x256xf32, #tpu.memory_space<hbm>>
      %dma_start3A_34 = tpu.memref_squeeze %dma_start3A_33 : memref<1x256xf32, #tpu.memory_space<hbm>> -> memref<256xf32, #tpu.memory_space<hbm>>
      tpu.enqueue_dma source(%dma_start3A_34 : memref<256xf32, #tpu.memory_space<hbm>>) target(%dma_start3A_32 : memref<256xf32, #tpu.memory_space<vmem>>) target_semaphore(%run_scoped3A_25 : memref<!tpu.dma_semaphore, #tpu.memory_space<semaphore_mem>>)
      %dma_wait3A = arith.constant 0 : i32
      %dma_wait3A_35 = tpu.memref_slice %arg8[%run_scoped3A_13, %dma_wait3A] : memref<8x256xf32, #tpu.memory_space<vmem>> -> memref<1x256xf32, #tpu.memory_space<vmem>>
      %dma_wait3A_36 = tpu.memref_squeeze %dma_wait3A_35 : memref<1x256xf32, #tpu.memory_space<vmem>> -> memref<256xf32, #tpu.memory_space<vmem>>
      %dma_wait3A_37 = tpu.memref_slice %arg2[%run_scoped3A_12, %mul3A_2] : memref<8x8192xf32, #tpu.memory_space<hbm>> -> memref<1x256xf32, #tpu.memory_space<hbm>>
      %dma_wait3A_38 = tpu.memref_squeeze %dma_wait3A_37 : memref<1x256xf32, #tpu.memory_space<hbm>> -> memref<256xf32, #tpu.memory_space<hbm>>
      %dma_wait3A_39 = arith.constant 0 : i32
      %dma_wait3A_40 = tpu.memref_slice %arg8[%run_scoped3A_13, %dma_wait3A_39] : memref<8x256xf32, #tpu.memory_space<vmem>> -> memref<1x256xf32, #tpu.memory_space<vmem>>
      %dma_wait3A_41 = tpu.memref_squeeze %dma_wait3A_40 : memref<1x256xf32, #tpu.memory_space<vmem>> -> memref<256xf32, #tpu.memory_space<vmem>>
      %dma_wait3A_42 = tpu.memref_slice %arg2[%run_scoped3A_12, %mul3A_2] : memref<8x8192xf32, #tpu.memory_space<hbm>> -> memref<1x256xf32, #tpu.memory_space<hbm>>
      %dma_wait3A_43 = tpu.memref_squeeze %dma_wait3A_42 : memref<1x256xf32, #tpu.memory_space<hbm>> -> memref<256xf32, #tpu.memory_space<hbm>>
      tpu.wait_dma2 semaphore(%run_scoped3A_25 : memref<!tpu.dma_semaphore, #tpu.memory_space<semaphore_mem>>) src(%dma_wait3A_43 : memref<256xf32, #tpu.memory_space<hbm>>) dst(%dma_wait3A_41 : memref<256xf32, #tpu.memory_space<vmem>>)
      tpu.yield
    }) : () -> ()
    %run_scoped3A_14 = arith.constant 6 : i32
    %run_scoped3A_15 = arith.constant 6 : i32
    "tpu.region"() ({
      %run_scoped3A_25 = tpu.sem_alloc : memref<!tpu.dma_semaphore, #tpu.memory_space<semaphore_mem>>
      %dma_start3A = arith.constant 0 : i32
      %dma_start3A_26 = tpu.memref_slice %arg8[%run_scoped3A_15, %dma_start3A] : memref<8x256xf32, #tpu.memory_space<vmem>> -> memref<1x256xf32, #tpu.memory_space<vmem>>
      %dma_start3A_27 = tpu.memref_squeeze %dma_start3A_26 : memref<1x256xf32, #tpu.memory_space<vmem>> -> memref<256xf32, #tpu.memory_space<vmem>>
      %dma_start3A_28 = tpu.memref_slice %arg2[%run_scoped3A_14, %mul3A_2] : memref<8x8192xf32, #tpu.memory_space<hbm>> -> memref<1x256xf32, #tpu.memory_space<hbm>>
      %dma_start3A_29 = tpu.memref_squeeze %dma_start3A_28 : memref<1x256xf32, #tpu.memory_space<hbm>> -> memref<256xf32, #tpu.memory_space<hbm>>
      %dma_start3A_30 = arith.constant 0 : i32
      %dma_start3A_31 = tpu.memref_slice %arg8[%run_scoped3A_15, %dma_start3A_30] : memref<8x256xf32, #tpu.memory_space<vmem>> -> memref<1x256xf32, #tpu.memory_space<vmem>>
      %dma_start3A_32 = tpu.memref_squeeze %dma_start3A_31 : memref<1x256xf32, #tpu.memory_space<vmem>> -> memref<256xf32, #tpu.memory_space<vmem>>
      %dma_start3A_33 = tpu.memref_slice %arg2[%run_scoped3A_14, %mul3A_2] : memref<8x8192xf32, #tpu.memory_space<hbm>> -> memref<1x256xf32, #tpu.memory_space<hbm>>
      %dma_start3A_34 = tpu.memref_squeeze %dma_start3A_33 : memref<1x256xf32, #tpu.memory_space<hbm>> -> memref<256xf32, #tpu.memory_space<hbm>>
      tpu.enqueue_dma source(%dma_start3A_34 : memref<256xf32, #tpu.memory_space<hbm>>) target(%dma_start3A_32 : memref<256xf32, #tpu.memory_space<vmem>>) target_semaphore(%run_scoped3A_25 : memref<!tpu.dma_semaphore, #tpu.memory_space<semaphore_mem>>)
      %dma_wait3A = arith.constant 0 : i32
      %dma_wait3A_35 = tpu.memref_slice %arg8[%run_scoped3A_15, %dma_wait3A] : memref<8x256xf32, #tpu.memory_space<vmem>> -> memref<1x256xf32, #tpu.memory_space<vmem>>
      %dma_wait3A_36 = tpu.memref_squeeze %dma_wait3A_35 : memref<1x256xf32, #tpu.memory_space<vmem>> -> memref<256xf32, #tpu.memory_space<vmem>>
      %dma_wait3A_37 = tpu.memref_slice %arg2[%run_scoped3A_14, %mul3A_2] : memref<8x8192xf32, #tpu.memory_space<hbm>> -> memref<1x256xf32, #tpu.memory_space<hbm>>
      %dma_wait3A_38 = tpu.memref_squeeze %dma_wait3A_37 : memref<1x256xf32, #tpu.memory_space<hbm>> -> memref<256xf32, #tpu.memory_space<hbm>>
      %dma_wait3A_39 = arith.constant 0 : i32
      %dma_wait3A_40 = tpu.memref_slice %arg8[%run_scoped3A_15, %dma_wait3A_39] : memref<8x256xf32, #tpu.memory_space<vmem>> -> memref<1x256xf32, #tpu.memory_space<vmem>>
      %dma_wait3A_41 = tpu.memref_squeeze %dma_wait3A_40 : memref<1x256xf32, #tpu.memory_space<vmem>> -> memref<256xf32, #tpu.memory_space<vmem>>
      %dma_wait3A_42 = tpu.memref_slice %arg2[%run_scoped3A_14, %mul3A_2] : memref<8x8192xf32, #tpu.memory_space<hbm>> -> memref<1x256xf32, #tpu.memory_space<hbm>>
      %dma_wait3A_43 = tpu.memref_squeeze %dma_wait3A_42 : memref<1x256xf32, #tpu.memory_space<hbm>> -> memref<256xf32, #tpu.memory_space<hbm>>
      tpu.wait_dma2 semaphore(%run_scoped3A_25 : memref<!tpu.dma_semaphore, #tpu.memory_space<semaphore_mem>>) src(%dma_wait3A_43 : memref<256xf32, #tpu.memory_space<hbm>>) dst(%dma_wait3A_41 : memref<256xf32, #tpu.memory_space<vmem>>)
      tpu.yield
    }) : () -> ()
    %run_scoped3A_16 = arith.constant 7 : i32
    %run_scoped3A_17 = arith.constant 7 : i32
    "tpu.region"() ({
      %run_scoped3A_25 = tpu.sem_alloc : memref<!tpu.dma_semaphore, #tpu.memory_space<semaphore_mem>>
      %dma_start3A = arith.constant 0 : i32
      %dma_start3A_26 = tpu.memref_slice %arg8[%run_scoped3A_17, %dma_start3A] : memref<8x256xf32, #tpu.memory_space<vmem>> -> memref<1x256xf32, #tpu.memory_space<vmem>>
      %dma_start3A_27 = tpu.memref_squeeze %dma_start3A_26 : memref<1x256xf32, #tpu.memory_space<vmem>> -> memref<256xf32, #tpu.memory_space<vmem>>
      %dma_start3A_28 = tpu.memref_slice %arg2[%run_scoped3A_16, %mul3A_2] : memref<8x8192xf32, #tpu.memory_space<hbm>> -> memref<1x256xf32, #tpu.memory_space<hbm>>
      %dma_start3A_29 = tpu.memref_squeeze %dma_start3A_28 : memref<1x256xf32, #tpu.memory_space<hbm>> -> memref<256xf32, #tpu.memory_space<hbm>>
      %dma_start3A_30 = arith.constant 0 : i32
      %dma_start3A_31 = tpu.memref_slice %arg8[%run_scoped3A_17, %dma_start3A_30] : memref<8x256xf32, #tpu.memory_space<vmem>> -> memref<1x256xf32, #tpu.memory_space<vmem>>
      %dma_start3A_32 = tpu.memref_squeeze %dma_start3A_31 : memref<1x256xf32, #tpu.memory_space<vmem>> -> memref<256xf32, #tpu.memory_space<vmem>>
      %dma_start3A_33 = tpu.memref_slice %arg2[%run_scoped3A_16, %mul3A_2] : memref<8x8192xf32, #tpu.memory_space<hbm>> -> memref<1x256xf32, #tpu.memory_space<hbm>>
      %dma_start3A_34 = tpu.memref_squeeze %dma_start3A_33 : memref<1x256xf32, #tpu.memory_space<hbm>> -> memref<256xf32, #tpu.memory_space<hbm>>
      tpu.enqueue_dma source(%dma_start3A_34 : memref<256xf32, #tpu.memory_space<hbm>>) target(%dma_start3A_32 : memref<256xf32, #tpu.memory_space<vmem>>) target_semaphore(%run_scoped3A_25 : memref<!tpu.dma_semaphore, #tpu.memory_space<semaphore_mem>>)
      %dma_wait3A = arith.constant 0 : i32
      %dma_wait3A_35 = tpu.memref_slice %arg8[%run_scoped3A_17, %dma_wait3A] : memref<8x256xf32, #tpu.memory_space<vmem>> -> memref<1x256xf32, #tpu.memory_space<vmem>>
      %dma_wait3A_36 = tpu.memref_squeeze %dma_wait3A_35 : memref<1x256xf32, #tpu.memory_space<vmem>> -> memref<256xf32, #tpu.memory_space<vmem>>
      %dma_wait3A_37 = tpu.memref_slice %arg2[%run_scoped3A_16, %mul3A_2] : memref<8x8192xf32, #tpu.memory_space<hbm>> -> memref<1x256xf32, #tpu.memory_space<hbm>>
      %dma_wait3A_38 = tpu.memref_squeeze %dma_wait3A_37 : memref<1x256xf32, #tpu.memory_space<hbm>> -> memref<256xf32, #tpu.memory_space<hbm>>
      %dma_wait3A_39 = arith.constant 0 : i32
      %dma_wait3A_40 = tpu.memref_slice %arg8[%run_scoped3A_17, %dma_wait3A_39] : memref<8x256xf32, #tpu.memory_space<vmem>> -> memref<1x256xf32, #tpu.memory_space<vmem>>
      %dma_wait3A_41 = tpu.memref_squeeze %dma_wait3A_40 : memref<1x256xf32, #tpu.memory_space<vmem>> -> memref<256xf32, #tpu.memory_space<vmem>>
      %dma_wait3A_42 = tpu.memref_slice %arg2[%run_scoped3A_16, %mul3A_2] : memref<8x8192xf32, #tpu.memory_space<hbm>> -> memref<1x256xf32, #tpu.memory_space<hbm>>
      %dma_wait3A_43 = tpu.memref_squeeze %dma_wait3A_42 : memref<1x256xf32, #tpu.memory_space<hbm>> -> memref<256xf32, #tpu.memory_space<hbm>>
      tpu.wait_dma2 semaphore(%run_scoped3A_25 : memref<!tpu.dma_semaphore, #tpu.memory_space<semaphore_mem>>) src(%dma_wait3A_43 : memref<256xf32, #tpu.memory_space<hbm>>) dst(%dma_wait3A_41 : memref<256xf32, #tpu.memory_space<vmem>>)
      tpu.yield
    }) : () -> ()
    %broadcast_in_dim3A = arith.constant 0 : i32
    %broadcast_in_dim3A_18 = vector.broadcast %broadcast_in_dim3A : i32 to vector<16xi32>
    %scan3A = arith.constant 0 : i32
    %scan3A_19 = arith.constant 16 : i32
    %scan3A_20 = arith.addi %scan3A, %scan3A_19 : i32
    %scan3A_21 = arith.constant 1 : i32
    %scan3A_22 = scf.for %scan3A_25 = %scan3A to %scan3A_20 step %scan3A_21 iter_args(%scan3A_26 = %broadcast_in_dim3A_18) -> (vector<16xi32>)  : i32 {
      %mul3A_27 = arith.constant 16 : i32
      %mul3A_28 = arith.muli %scan3A_25, %mul3A_27 : i32
      %get3A = arith.constant 0 : i32
      %get3A_29 = arith.index_cast %get3A : i32 to index
      %get3A_30 = arith.index_cast %mul3A_28 : i32 to index
      %get3A_31 = tpu.vector_load %arg8[%get3A_29, %get3A_30] {strides = array<i32>} : memref<8x256xf32, #tpu.memory_space<vmem>>, vector<16xf32>,
      %broadcast_in_dim3A_32 = arith.constant 0 : i32
      %broadcast_in_dim3A_33 = vector.broadcast %broadcast_in_dim3A_32 : i32 to vector<16xi32>
      %broadcast_in_dim3A_34 = arith.constant 0xFF800000 : f32
      %broadcast_in_dim3A_35 = vector.broadcast %broadcast_in_dim3A_34 : f32 to vector<16xf32>
      %broadcast_in_dim3A_36 = arith.constant 0 : i32
      %broadcast_in_dim3A_37 = vector.broadcast %broadcast_in_dim3A_36 : i32 to vector<16xi32>
      %get3A_38 = arith.constant 1 : i32
      %get3A_39 = arith.index_cast %get3A_38 : i32 to index
      %get3A_40 = arith.index_cast %mul3A_28 : i32 to index
      %get3A_41 = tpu.vector_load %arg8[%get3A_39, %get3A_40] {strides = array<i32>} : memref<8x256xf32, #tpu.memory_space<vmem>>, vector<16xf32>,
      %gt3A = arith.cmpf ogt, %get3A_41, %get3A_31 : vector<16xf32>
      %gt3A_42 = arith.cmpf ogt, %get3A_41, %broadcast_in_dim3A_35 : vector<16xf32>
      %jit3A = arith.constant 1 : i32
      %broadcast_in_dim3A_43 = vector.broadcast %jit3A : i32 to vector<16xi32>
      %select_n3A = arith.select %gt3A_42, %broadcast_in_dim3A_43, %broadcast_in_dim3A_37 : vector<16xi1>, vector<16xi32>
      %select_n3A_44 = arith.select %gt3A, %broadcast_in_dim3A_33, %select_n3A : vector<16xi1>, vector<16xi32>
      %select_n3A_45 = arith.select %gt3A_42, %get3A_41, %broadcast_in_dim3A_35 : vector<16xi1>, vector<16xf32>
      %select_n3A_46 = arith.select %gt3A, %get3A_31, %select_n3A_45 : vector<16xi1>, vector<16xf32>
      %jit3A_47 = arith.constant 1 : i32
      %broadcast_in_dim3A_48 = vector.broadcast %jit3A_47 : i32 to vector<16xi32>
      %select_n3A_49 = arith.select %gt3A, %broadcast_in_dim3A_48, %broadcast_in_dim3A_33 : vector<16xi1>, vector<16xi32>
      %select_n3A_50 = arith.select %gt3A, %get3A_41, %get3A_31 : vector<16xi1>, vector<16xf32>
      %get3A_51 = arith.constant 2 : i32
      %get3A_52 = arith.index_cast %get3A_51 : i32 to index
      %get3A_53 = arith.index_cast %mul3A_28 : i32 to index
      %get3A_54 = tpu.vector_load %arg8[%get3A_52, %get3A_53] {strides = array<i32>} : memref<8x256xf32, #tpu.memory_space<vmem>>, vector<16xf32>,
      %gt3A_55 = arith.cmpf ogt, %get3A_54, %select_n3A_50 : vector<16xf32>
      %gt3A_56 = arith.cmpf ogt, %get3A_54, %select_n3A_46 : vector<16xf32>
      %jit3A_57 = arith.constant 2 : i32
      %broadcast_in_dim3A_58 = vector.broadcast %jit3A_57 : i32 to vector<16xi32>
      %select_n3A_59 = arith.select %gt3A_56, %broadcast_in_dim3A_58, %select_n3A_44 : vector<16xi1>, vector<16xi32>
      %select_n3A_60 = arith.select %gt3A_55, %select_n3A_49, %select_n3A_59 : vector<16xi1>, vector<16xi32>
      %select_n3A_61 = arith.select %gt3A_56, %get3A_54, %select_n3A_46 : vector<16xi1>, vector<16xf32>
      %select_n3A_62 = arith.select %gt3A_55, %select_n3A_50, %select_n3A_61 : vector<16xi1>, vector<16xf32>
      %jit3A_63 = arith.constant 2 : i32
      %broadcast_in_dim3A_64 = vector.broadcast %jit3A_63 : i32 to vector<16xi32>
      %select_n3A_65 = arith.select %gt3A_55, %broadcast_in_dim3A_64, %select_n3A_49 : vector<16xi1>, vector<16xi32>
      %select_n3A_66 = arith.select %gt3A_55, %get3A_54, %select_n3A_50 : vector<16xi1>, vector<16xf32>
      %get3A_67 = arith.constant 3 : i32
      %get3A_68 = arith.index_cast %get3A_67 : i32 to index
      %get3A_69 = arith.index_cast %mul3A_28 : i32 to index
      %get3A_70 = tpu.vector_load %arg8[%get3A_68, %get3A_69] {strides = array<i32>} : memref<8x256xf32, #tpu.memory_space<vmem>>, vector<16xf32>,
      %gt3A_71 = arith.cmpf ogt, %get3A_70, %select_n3A_66 : vector<16xf32>
      %gt3A_72 = arith.cmpf ogt, %get3A_70, %select_n3A_62 : vector<16xf32>
      %jit3A_73 = arith.constant 3 : i32
      %broadcast_in_dim3A_74 = vector.broadcast %jit3A_73 : i32 to vector<16xi32>
      %select_n3A_75 = arith.select %gt3A_72, %broadcast_in_dim3A_74, %select_n3A_60 : vector<16xi1>, vector<16xi32>
      %select_n3A_76 = arith.select %gt3A_71, %select_n3A_65, %select_n3A_75 : vector<16xi1>, vector<16xi32>
      %select_n3A_77 = arith.select %gt3A_72, %get3A_70, %select_n3A_62 : vector<16xi1>, vector<16xf32>
      %select_n3A_78 = arith.select %gt3A_71, %select_n3A_66, %select_n3A_77 : vector<16xi1>, vector<16xf32>
      %jit3A_79 = arith.constant 3 : i32
      %broadcast_in_dim3A_80 = vector.broadcast %jit3A_79 : i32 to vector<16xi32>
      %select_n3A_81 = arith.select %gt3A_71, %broadcast_in_dim3A_80, %select_n3A_65 : vector<16xi1>, vector<16xi32>
      %select_n3A_82 = arith.select %gt3A_71, %get3A_70, %select_n3A_66 : vector<16xi1>, vector<16xf32>
      %get3A_83 = arith.constant 4 : i32
      %get3A_84 = arith.index_cast %get3A_83 : i32 to index
      %get3A_85 = arith.index_cast %mul3A_28 : i32 to index
      %get3A_86 = tpu.vector_load %arg8[%get3A_84, %get3A_85] {strides = array<i32>} : memref<8x256xf32, #tpu.memory_space<vmem>>, vector<16xf32>,
      %gt3A_87 = arith.cmpf ogt, %get3A_86, %select_n3A_82 : vector<16xf32>
      %gt3A_88 = arith.cmpf ogt, %get3A_86, %select_n3A_78 : vector<16xf32>
      %jit3A_89 = arith.constant 4 : i32
      %broadcast_in_dim3A_90 = vector.broadcast %jit3A_89 : i32 to vector<16xi32>
      %select_n3A_91 = arith.select %gt3A_88, %broadcast_in_dim3A_90, %select_n3A_76 : vector<16xi1>, vector<16xi32>
      %select_n3A_92 = arith.select %gt3A_87, %select_n3A_81, %select_n3A_91 : vector<16xi1>, vector<16xi32>
      %select_n3A_93 = arith.select %gt3A_88, %get3A_86, %select_n3A_78 : vector<16xi1>, vector<16xf32>
      %select_n3A_94 = arith.select %gt3A_87, %select_n3A_82, %select_n3A_93 : vector<16xi1>, vector<16xf32>
      %jit3A_95 = arith.constant 4 : i32
      %broadcast_in_dim3A_96 = vector.broadcast %jit3A_95 : i32 to vector<16xi32>
      %select_n3A_97 = arith.select %gt3A_87, %broadcast_in_dim3A_96, %select_n3A_81 : vector<16xi1>, vector<16xi32>
      %select_n3A_98 = arith.select %gt3A_87, %get3A_86, %select_n3A_82 : vector<16xi1>, vector<16xf32>
      %get3A_99 = arith.constant 5 : i32
      %get3A_100 = arith.index_cast %get3A_99 : i32 to index
      %get3A_101 = arith.index_cast %mul3A_28 : i32 to index
      %get3A_102 = tpu.vector_load %arg8[%get3A_100, %get3A_101] {strides = array<i32>} : memref<8x256xf32, #tpu.memory_space<vmem>>, vector<16xf32>,
      %gt3A_103 = arith.cmpf ogt, %get3A_102, %select_n3A_98 : vector<16xf32>
      %gt3A_104 = arith.cmpf ogt, %get3A_102, %select_n3A_94 : vector<16xf32>
      %jit3A_105 = arith.constant 5 : i32
      %broadcast_in_dim3A_106 = vector.broadcast %jit3A_105 : i32 to vector<16xi32>
      %select_n3A_107 = arith.select %gt3A_104, %broadcast_in_dim3A_106, %select_n3A_92 : vector<16xi1>, vector<16xi32>
      %select_n3A_108 = arith.select %gt3A_103, %select_n3A_97, %select_n3A_107 : vector<16xi1>, vector<16xi32>
      %select_n3A_109 = arith.select %gt3A_104, %get3A_102, %select_n3A_94 : vector<16xi1>, vector<16xf32>
      %select_n3A_110 = arith.select %gt3A_103, %select_n3A_98, %select_n3A_109 : vector<16xi1>, vector<16xf32>
      %jit3A_111 = arith.constant 5 : i32
      %broadcast_in_dim3A_112 = vector.broadcast %jit3A_111 : i32 to vector<16xi32>
      %select_n3A_113 = arith.select %gt3A_103, %broadcast_in_dim3A_112, %select_n3A_97 : vector<16xi1>, vector<16xi32>
      %select_n3A_114 = arith.select %gt3A_103, %get3A_102, %select_n3A_98 : vector<16xi1>, vector<16xf32>
      %get3A_115 = arith.constant 6 : i32
      %get3A_116 = arith.index_cast %get3A_115 : i32 to index
      %get3A_117 = arith.index_cast %mul3A_28 : i32 to index
      %get3A_118 = tpu.vector_load %arg8[%get3A_116, %get3A_117] {strides = array<i32>} : memref<8x256xf32, #tpu.memory_space<vmem>>, vector<16xf32>,
      %gt3A_119 = arith.cmpf ogt, %get3A_118, %select_n3A_114 : vector<16xf32>
      %gt3A_120 = arith.cmpf ogt, %get3A_118, %select_n3A_110 : vector<16xf32>
      %jit3A_121 = arith.constant 6 : i32
      %broadcast_in_dim3A_122 = vector.broadcast %jit3A_121 : i32 to vector<16xi32>
      %select_n3A_123 = arith.select %gt3A_120, %broadcast_in_dim3A_122, %select_n3A_108 : vector<16xi1>, vector<16xi32>
      %select_n3A_124 = arith.select %gt3A_119, %select_n3A_113, %select_n3A_123 : vector<16xi1>, vector<16xi32>
      %select_n3A_125 = arith.select %gt3A_120, %get3A_118, %select_n3A_110 : vector<16xi1>, vector<16xf32>
      %select_n3A_126 = arith.select %gt3A_119, %select_n3A_114, %select_n3A_125 : vector<16xi1>, vector<16xf32>
      %jit3A_127 = arith.constant 6 : i32
      %broadcast_in_dim3A_128 = vector.broadcast %jit3A_127 : i32 to vector<16xi32>
      %select_n3A_129 = arith.select %gt3A_119, %broadcast_in_dim3A_128, %select_n3A_113 : vector<16xi1>, vector<16xi32>
      %select_n3A_130 = arith.select %gt3A_119, %get3A_118, %select_n3A_114 : vector<16xi1>, vector<16xf32>
      %get3A_131 = arith.constant 7 : i32
      %get3A_132 = arith.index_cast %get3A_131 : i32 to index
      %get3A_133 = arith.index_cast %mul3A_28 : i32 to index
      %get3A_134 = tpu.vector_load %arg8[%get3A_132, %get3A_133] {strides = array<i32>} : memref<8x256xf32, #tpu.memory_space<vmem>>, vector<16xf32>,
      %gt3A_135 = arith.cmpf ogt, %get3A_134, %select_n3A_130 : vector<16xf32>
      %gt3A_136 = arith.cmpf ogt, %get3A_134, %select_n3A_126 : vector<16xf32>
      %jit3A_137 = arith.constant 7 : i32
      %broadcast_in_dim3A_138 = vector.broadcast %jit3A_137 : i32 to vector<16xi32>
      %select_n3A_139 = arith.select %gt3A_136, %broadcast_in_dim3A_138, %select_n3A_124 : vector<16xi1>, vector<16xi32>
      %select_n3A_140 = arith.select %gt3A_135, %select_n3A_129, %select_n3A_139 : vector<16xi1>, vector<16xi32>
      %select_n3A_141 = arith.select %gt3A_136, %get3A_134, %select_n3A_126 : vector<16xi1>, vector<16xf32>
      %select_n3A_142 = arith.select %gt3A_135, %select_n3A_130, %select_n3A_141 : vector<16xi1>, vector<16xf32>
      %jit3A_143 = arith.constant 7 : i32
      %broadcast_in_dim3A_144 = vector.broadcast %jit3A_143 : i32 to vector<16xi32>
      %select_n3A_145 = arith.select %gt3A_135, %broadcast_in_dim3A_144, %select_n3A_129 : vector<16xi1>, vector<16xi32>
      %select_n3A_146 = arith.select %gt3A_135, %get3A_134, %select_n3A_130 : vector<16xi1>, vector<16xf32>
      %sub3A = arith.subf %select_n3A_142, %select_n3A_146 : vector<16xf32>
      %exp3A = math.exp %sub3A : vector<16xf32>
      %add3A_147 = arith.constant 1.000000e+00 : f32
      %add3A_148 = vector.broadcast %add3A_147 : f32 to vector<16xf32>
      %add3A_149 = arith.addf %add3A_148, %exp3A : vector<16xf32>
      %div3A = arith.constant 1.000000e+00 : f32
      %div3A_150 = vector.broadcast %div3A : f32 to vector<16xf32>
      %div3A_151 = arith.divf %div3A_150, %add3A_149 : vector<16xf32>
      %swap3A_152 = arith.index_cast %mul3A_28 : i32 to index
      %swap3A_153 = tpu.vector_load %arg9[%swap3A_152] {strides = array<i32>} : memref<256xi32, #tpu.memory_space<vmem>>, vector<16xi32>,
      tpu.vector_store %arg9[%swap3A_152], %select_n3A_145 {strides = array<i32>} : memref<256xi32, #tpu.memory_space<vmem>>, vector<16xi32>,
      %swap3A_154 = arith.index_cast %mul3A_28 : i32 to index
      %swap3A_155 = tpu.vector_load %arg10[%swap3A_154] {strides = array<i32>} : memref<256xi32, #tpu.memory_space<vmem>>, vector<16xi32>,
      tpu.vector_store %arg10[%swap3A_154], %select_n3A_140 {strides = array<i32>} : memref<256xi32, #tpu.memory_space<vmem>>, vector<16xi32>,
      %swap3A_156 = arith.index_cast %mul3A_28 : i32 to index
      %swap3A_157 = tpu.vector_load %arg11[%swap3A_156] {strides = array<i32>} : memref<256xf32, #tpu.memory_space<vmem>>, vector<16xf32>,
      tpu.vector_store %arg11[%swap3A_156], %div3A_151 {strides = array<i32>} : memref<256xf32, #tpu.memory_space<vmem>>, vector<16xf32>,
      %sub3A_158 = arith.constant 1.000000e+00 : f32
      %sub3A_159 = vector.broadcast %sub3A_158 : f32 to vector<16xf32>
      %sub3A_160 = arith.subf %sub3A_159, %div3A_151 : vector<16xf32>
      %swap3A_161 = arith.index_cast %mul3A_28 : i32 to index
      %swap3A_162 = tpu.vector_load %arg12[%swap3A_161] {strides = array<i32>} : memref<256xf32, #tpu.memory_space<vmem>>, vector<16xf32>,
      tpu.vector_store %arg12[%swap3A_161], %sub3A_160 {strides = array<i32>} : memref<256xf32, #tpu.memory_space<vmem>>, vector<16xf32>,
      %eq3A = arith.constant 0 : i32
      %eq3A_163 = vector.broadcast %eq3A : i32 to vector<16xi32>
      %eq3A_164 = arith.cmpi eq, %select_n3A_145, %eq3A_163 : vector<16xi32>
      %all_reduce_population_count3A = tpu.all_reduce %eq3A_164 {dim = 0 : i64, kind = #tpu.reduction_kind<sum>} : vector<16xi1> -> vector<16xi32>
      %eq3A_165 = arith.constant 0 : i32
      %eq3A_166 = vector.broadcast %eq3A_165 : i32 to vector<16xi32>
      %eq3A_167 = arith.cmpi eq, %select_n3A_140, %eq3A_166 : vector<16xi32>
      %all_reduce_population_count3A_168 = tpu.all_reduce %eq3A_167 {dim = 0 : i64, kind = #tpu.reduction_kind<sum>} : vector<16xi1> -> vector<16xi32>
      %add3A_169 = arith.addi %all_reduce_population_count3A, %all_reduce_population_count3A_168 : vector<16xi32>
      %eq3A_170 = arith.constant 0 : i32
      %eq3A_171 = vector.broadcast %eq3A_170 : i32 to vector<16xi32>
      %eq3A_172 = arith.cmpi eq, %iota3A, %eq3A_171 : vector<16xi32>
      %jit3A_173 = arith.constant 0 : i32
      %broadcast_in_dim3A_174 = vector.broadcast %jit3A_173 : i32 to vector<16xi32>
      %select_n3A_175 = arith.select %eq3A_172, %add3A_169, %broadcast_in_dim3A_174 : vector<16xi1>, vector<16xi32>
      %add3A_176 = arith.addi %scan3A_26, %select_n3A_175 : vector<16xi32>
      %eq3A_177 = arith.constant 1 : i32
      %eq3A_178 = vector.broadcast %eq3A_177 : i32 to vector<16xi32>
      %eq3A_179 = arith.cmpi eq, %select_n3A_145, %eq3A_178 : vector<16xi32>
      %all_reduce_population_count3A_180 = tpu.all_reduce %eq3A_179 {dim = 0 : i64, kind = #tpu.reduction_kind<sum>} : vector<16xi1> -> vector<16xi32>
      %eq3A_181 = arith.constant 1 : i32
      %eq3A_182 = vector.broadcast %eq3A_181 : i32 to vector<16xi32>
      %eq3A_183 = arith.cmpi eq, %select_n3A_140, %eq3A_182 : vector<16xi32>
      %all_reduce_population_count3A_184 = tpu.all_reduce %eq3A_183 {dim = 0 : i64, kind = #tpu.reduction_kind<sum>} : vector<16xi1> -> vector<16xi32>
      %add3A_185 = arith.addi %all_reduce_population_count3A_180, %all_reduce_population_count3A_184 : vector<16xi32>
      %eq3A_186 = arith.constant 1 : i32
      %eq3A_187 = vector.broadcast %eq3A_186 : i32 to vector<16xi32>
      %eq3A_188 = arith.cmpi eq, %iota3A, %eq3A_187 : vector<16xi32>
      %jit3A_189 = arith.constant 0 : i32
      %broadcast_in_dim3A_190 = vector.broadcast %jit3A_189 : i32 to vector<16xi32>
      %select_n3A_191 = arith.select %eq3A_188, %add3A_185, %broadcast_in_dim3A_190 : vector<16xi1>, vector<16xi32>
      %add3A_192 = arith.addi %add3A_176, %select_n3A_191 : vector<16xi32>
      %eq3A_193 = arith.constant 2 : i32
      %eq3A_194 = vector.broadcast %eq3A_193 : i32 to vector<16xi32>
      %eq3A_195 = arith.cmpi eq, %select_n3A_145, %eq3A_194 : vector<16xi32>
      %all_reduce_population_count3A_196 = tpu.all_reduce %eq3A_195 {dim = 0 : i64, kind = #tpu.reduction_kind<sum>} : vector<16xi1> -> vector<16xi32>
      %eq3A_197 = arith.constant 2 : i32
      %eq3A_198 = vector.broadcast %eq3A_197 : i32 to vector<16xi32>
      %eq3A_199 = arith.cmpi eq, %select_n3A_140, %eq3A_198 : vector<16xi32>
      %all_reduce_population_count3A_200 = tpu.all_reduce %eq3A_199 {dim = 0 : i64, kind = #tpu.reduction_kind<sum>} : vector<16xi1> -> vector<16xi32>
      %add3A_201 = arith.addi %all_reduce_population_count3A_196, %all_reduce_population_count3A_200 : vector<16xi32>
      %eq3A_202 = arith.constant 2 : i32
      %eq3A_203 = vector.broadcast %eq3A_202 : i32 to vector<16xi32>
      %eq3A_204 = arith.cmpi eq, %iota3A, %eq3A_203 : vector<16xi32>
      %jit3A_205 = arith.constant 0 : i32
      %broadcast_in_dim3A_206 = vector.broadcast %jit3A_205 : i32 to vector<16xi32>
      %select_n3A_207 = arith.select %eq3A_204, %add3A_201, %broadcast_in_dim3A_206 : vector<16xi1>, vector<16xi32>
      %add3A_208 = arith.addi %add3A_192, %select_n3A_207 : vector<16xi32>
      %eq3A_209 = arith.constant 3 : i32
      %eq3A_210 = vector.broadcast %eq3A_209 : i32 to vector<16xi32>
      %eq3A_211 = arith.cmpi eq, %select_n3A_145, %eq3A_210 : vector<16xi32>
      %all_reduce_population_count3A_212 = tpu.all_reduce %eq3A_211 {dim = 0 : i64, kind = #tpu.reduction_kind<sum>} : vector<16xi1> -> vector<16xi32>
      %eq3A_213 = arith.constant 3 : i32
      %eq3A_214 = vector.broadcast %eq3A_213 : i32 to vector<16xi32>
      %eq3A_215 = arith.cmpi eq, %select_n3A_140, %eq3A_214 : vector<16xi32>
      %all_reduce_population_count3A_216 = tpu.all_reduce %eq3A_215 {dim = 0 : i64, kind = #tpu.reduction_kind<sum>} : vector<16xi1> -> vector<16xi32>
      %add3A_217 = arith.addi %all_reduce_population_count3A_212, %all_reduce_population_count3A_216 : vector<16xi32>
      %eq3A_218 = arith.constant 3 : i32
      %eq3A_219 = vector.broadcast %eq3A_218 : i32 to vector<16xi32>
      %eq3A_220 = arith.cmpi eq, %iota3A, %eq3A_219 : vector<16xi32>
      %jit3A_221 = arith.constant 0 : i32
      %broadcast_in_dim3A_222 = vector.broadcast %jit3A_221 : i32 to vector<16xi32>
      %select_n3A_223 = arith.select %eq3A_220, %add3A_217, %broadcast_in_dim3A_222 : vector<16xi1>, vector<16xi32>
      %add3A_224 = arith.addi %add3A_208, %select_n3A_223 : vector<16xi32>
      %eq3A_225 = arith.constant 4 : i32
      %eq3A_226 = vector.broadcast %eq3A_225 : i32 to vector<16xi32>
      %eq3A_227 = arith.cmpi eq, %select_n3A_145, %eq3A_226 : vector<16xi32>
      %all_reduce_population_count3A_228 = tpu.all_reduce %eq3A_227 {dim = 0 : i64, kind = #tpu.reduction_kind<sum>} : vector<16xi1> -> vector<16xi32>
      %eq3A_229 = arith.constant 4 : i32
      %eq3A_230 = vector.broadcast %eq3A_229 : i32 to vector<16xi32>
      %eq3A_231 = arith.cmpi eq, %select_n3A_140, %eq3A_230 : vector<16xi32>
      %all_reduce_population_count3A_232 = tpu.all_reduce %eq3A_231 {dim = 0 : i64, kind = #tpu.reduction_kind<sum>} : vector<16xi1> -> vector<16xi32>
      %add3A_233 = arith.addi %all_reduce_population_count3A_228, %all_reduce_population_count3A_232 : vector<16xi32>
      %eq3A_234 = arith.constant 4 : i32
      %eq3A_235 = vector.broadcast %eq3A_234 : i32 to vector<16xi32>
      %eq3A_236 = arith.cmpi eq, %iota3A, %eq3A_235 : vector<16xi32>
      %jit3A_237 = arith.constant 0 : i32
      %broadcast_in_dim3A_238 = vector.broadcast %jit3A_237 : i32 to vector<16xi32>
      %select_n3A_239 = arith.select %eq3A_236, %add3A_233, %broadcast_in_dim3A_238 : vector<16xi1>, vector<16xi32>
      %add3A_240 = arith.addi %add3A_224, %select_n3A_239 : vector<16xi32>
      %eq3A_241 = arith.constant 5 : i32
      %eq3A_242 = vector.broadcast %eq3A_241 : i32 to vector<16xi32>
      %eq3A_243 = arith.cmpi eq, %select_n3A_145, %eq3A_242 : vector<16xi32>
      %all_reduce_population_count3A_244 = tpu.all_reduce %eq3A_243 {dim = 0 : i64, kind = #tpu.reduction_kind<sum>} : vector<16xi1> -> vector<16xi32>
      %eq3A_245 = arith.constant 5 : i32
      %eq3A_246 = vector.broadcast %eq3A_245 : i32 to vector<16xi32>
      %eq3A_247 = arith.cmpi eq, %select_n3A_140, %eq3A_246 : vector<16xi32>
      %all_reduce_population_count3A_248 = tpu.all_reduce %eq3A_247 {dim = 0 : i64, kind = #tpu.reduction_kind<sum>} : vector<16xi1> -> vector<16xi32>
      %add3A_249 = arith.addi %all_reduce_population_count3A_244, %all_reduce_population_count3A_248 : vector<16xi32>
      %eq3A_250 = arith.constant 5 : i32
      %eq3A_251 = vector.broadcast %eq3A_250 : i32 to vector<16xi32>
      %eq3A_252 = arith.cmpi eq, %iota3A, %eq3A_251 : vector<16xi32>
      %jit3A_253 = arith.constant 0 : i32
      %broadcast_in_dim3A_254 = vector.broadcast %jit3A_253 : i32 to vector<16xi32>
      %select_n3A_255 = arith.select %eq3A_252, %add3A_249, %broadcast_in_dim3A_254 : vector<16xi1>, vector<16xi32>
      %add3A_256 = arith.addi %add3A_240, %select_n3A_255 : vector<16xi32>
      %eq3A_257 = arith.constant 6 : i32
      %eq3A_258 = vector.broadcast %eq3A_257 : i32 to vector<16xi32>
      %eq3A_259 = arith.cmpi eq, %select_n3A_145, %eq3A_258 : vector<16xi32>
      %all_reduce_population_count3A_260 = tpu.all_reduce %eq3A_259 {dim = 0 : i64, kind = #tpu.reduction_kind<sum>} : vector<16xi1> -> vector<16xi32>
      %eq3A_261 = arith.constant 6 : i32
      %eq3A_262 = vector.broadcast %eq3A_261 : i32 to vector<16xi32>
      %eq3A_263 = arith.cmpi eq, %select_n3A_140, %eq3A_262 : vector<16xi32>
      %all_reduce_population_count3A_264 = tpu.all_reduce %eq3A_263 {dim = 0 : i64, kind = #tpu.reduction_kind<sum>} : vector<16xi1> -> vector<16xi32>
      %add3A_265 = arith.addi %all_reduce_population_count3A_260, %all_reduce_population_count3A_264 : vector<16xi32>
      %eq3A_266 = arith.constant 6 : i32
      %eq3A_267 = vector.broadcast %eq3A_266 : i32 to vector<16xi32>
      %eq3A_268 = arith.cmpi eq, %iota3A, %eq3A_267 : vector<16xi32>
      %jit3A_269 = arith.constant 0 : i32
      %broadcast_in_dim3A_270 = vector.broadcast %jit3A_269 : i32 to vector<16xi32>
      %select_n3A_271 = arith.select %eq3A_268, %add3A_265, %broadcast_in_dim3A_270 : vector<16xi1>, vector<16xi32>
      %add3A_272 = arith.addi %add3A_256, %select_n3A_271 : vector<16xi32>
      %eq3A_273 = arith.constant 7 : i32
      %eq3A_274 = vector.broadcast %eq3A_273 : i32 to vector<16xi32>
      %eq3A_275 = arith.cmpi eq, %select_n3A_145, %eq3A_274 : vector<16xi32>
      %all_reduce_population_count3A_276 = tpu.all_reduce %eq3A_275 {dim = 0 : i64, kind = #tpu.reduction_kind<sum>} : vector<16xi1> -> vector<16xi32>
      %eq3A_277 = arith.constant 7 : i32
      %eq3A_278 = vector.broadcast %eq3A_277 : i32 to vector<16xi32>
      %eq3A_279 = arith.cmpi eq, %select_n3A_140, %eq3A_278 : vector<16xi32>
      %all_reduce_population_count3A_280 = tpu.all_reduce %eq3A_279 {dim = 0 : i64, kind = #tpu.reduction_kind<sum>} : vector<16xi1> -> vector<16xi32>
      %add3A_281 = arith.addi %all_reduce_population_count3A_276, %all_reduce_population_count3A_280 : vector<16xi32>
      %eq3A_282 = arith.constant 7 : i32
      %eq3A_283 = vector.broadcast %eq3A_282 : i32 to vector<16xi32>
      %eq3A_284 = arith.cmpi eq, %iota3A, %eq3A_283 : vector<16xi32>
      %jit3A_285 = arith.constant 0 : i32
      %broadcast_in_dim3A_286 = vector.broadcast %jit3A_285 : i32 to vector<16xi32>
      %select_n3A_287 = arith.select %eq3A_284, %add3A_281, %broadcast_in_dim3A_286 : vector<16xi1>, vector<16xi32>
      %add3A_288 = arith.addi %add3A_272, %select_n3A_287 : vector<16xi32>
      scf.yield %add3A_288 : vector<16xi32>
    }
    %scan3A_23 = arith.constant 16 : i32
    %swap3A = arith.constant 0 : index
    %swap3A_24 = tpu.vector_load %arg13[%swap3A] {strides = array<i32>} : memref<16xi32, #tpu.memory_space<vmem>>, vector<16xi32>,
    tpu.vector_store %arg13[%swap3A], %scan3A_22 {strides = array<i32>} : memref<16xi32, #tpu.memory_space<vmem>>, vector<16xi32>,
    "tpu.region"() ({
      %run_scoped3A_25 = tpu.sem_alloc : memref<!tpu.dma_semaphore, #tpu.memory_space<semaphore_mem>>
      %dma_start3A = tpu.memref_slice %arg3[%mul3A_2] : memref<8192xi32, #tpu.memory_space<hbm>> -> memref<256xi32, #tpu.memory_space<hbm>>
      %dma_start3A_26 = tpu.memref_slice %arg3[%mul3A_2] : memref<8192xi32, #tpu.memory_space<hbm>> -> memref<256xi32, #tpu.memory_space<hbm>>
      tpu.enqueue_dma source(%arg9 : memref<256xi32, #tpu.memory_space<vmem>>) target(%dma_start3A_26 : memref<256xi32, #tpu.memory_space<hbm>>) target_semaphore(%run_scoped3A_25 : memref<!tpu.dma_semaphore, #tpu.memory_space<semaphore_mem>>)
      %dma_wait3A = tpu.memref_slice %arg3[%mul3A_2] : memref<8192xi32, #tpu.memory_space<hbm>> -> memref<256xi32, #tpu.memory_space<hbm>>
      %dma_wait3A_27 = tpu.memref_slice %arg3[%mul3A_2] : memref<8192xi32, #tpu.memory_space<hbm>> -> memref<256xi32, #tpu.memory_space<hbm>>
      tpu.wait_dma2 semaphore(%run_scoped3A_25 : memref<!tpu.dma_semaphore, #tpu.memory_space<semaphore_mem>>) src(%arg9 : memref<256xi32, #tpu.memory_space<vmem>>) dst(%dma_wait3A_27 : memref<256xi32, #tpu.memory_space<hbm>>)
      tpu.yield
    }) : () -> ()
    "tpu.region"() ({
      %run_scoped3A_25 = tpu.sem_alloc : memref<!tpu.dma_semaphore, #tpu.memory_space<semaphore_mem>>
      %dma_start3A = tpu.memref_slice %arg4[%mul3A_2] : memref<8192xi32, #tpu.memory_space<hbm>> -> memref<256xi32, #tpu.memory_space<hbm>>
      %dma_start3A_26 = tpu.memref_slice %arg4[%mul3A_2] : memref<8192xi32, #tpu.memory_space<hbm>> -> memref<256xi32, #tpu.memory_space<hbm>>
      tpu.enqueue_dma source(%arg10 : memref<256xi32, #tpu.memory_space<vmem>>) target(%dma_start3A_26 : memref<256xi32, #tpu.memory_space<hbm>>) target_semaphore(%run_scoped3A_25 : memref<!tpu.dma_semaphore, #tpu.memory_space<semaphore_mem>>)
      %dma_wait3A = tpu.memref_slice %arg4[%mul3A_2] : memref<8192xi32, #tpu.memory_space<hbm>> -> memref<256xi32, #tpu.memory_space<hbm>>
      %dma_wait3A_27 = tpu.memref_slice %arg4[%mul3A_2] : memref<8192xi32, #tpu.memory_space<hbm>> -> memref<256xi32, #tpu.memory_space<hbm>>
      tpu.wait_dma2 semaphore(%run_scoped3A_25 : memref<!tpu.dma_semaphore, #tpu.memory_space<semaphore_mem>>) src(%arg10 : memref<256xi32, #tpu.memory_space<vmem>>) dst(%dma_wait3A_27 : memref<256xi32, #tpu.memory_space<hbm>>)
      tpu.yield
    }) : () -> ()
    "tpu.region"() ({
      %run_scoped3A_25 = tpu.sem_alloc : memref<!tpu.dma_semaphore, #tpu.memory_space<semaphore_mem>>
      %dma_start3A = tpu.memref_slice %arg5[%mul3A_2] : memref<8192xf32, #tpu.memory_space<hbm>> -> memref<256xf32, #tpu.memory_space<hbm>>
      %dma_start3A_26 = tpu.memref_slice %arg5[%mul3A_2] : memref<8192xf32, #tpu.memory_space<hbm>> -> memref<256xf32, #tpu.memory_space<hbm>>
      tpu.enqueue_dma source(%arg11 : memref<256xf32, #tpu.memory_space<vmem>>) target(%dma_start3A_26 : memref<256xf32, #tpu.memory_space<hbm>>) target_semaphore(%run_scoped3A_25 : memref<!tpu.dma_semaphore, #tpu.memory_space<semaphore_mem>>)
      %dma_wait3A = tpu.memref_slice %arg5[%mul3A_2] : memref<8192xf32, #tpu.memory_space<hbm>> -> memref<256xf32, #tpu.memory_space<hbm>>
      %dma_wait3A_27 = tpu.memref_slice %arg5[%mul3A_2] : memref<8192xf32, #tpu.memory_space<hbm>> -> memref<256xf32, #tpu.memory_space<hbm>>
      tpu.wait_dma2 semaphore(%run_scoped3A_25 : memref<!tpu.dma_semaphore, #tpu.memory_space<semaphore_mem>>) src(%arg11 : memref<256xf32, #tpu.memory_space<vmem>>) dst(%dma_wait3A_27 : memref<256xf32, #tpu.memory_space<hbm>>)
      tpu.yield
    }) : () -> ()
    "tpu.region"() ({
      %run_scoped3A_25 = tpu.sem_alloc : memref<!tpu.dma_semaphore, #tpu.memory_space<semaphore_mem>>
      %dma_start3A = tpu.memref_slice %arg6[%mul3A_2] : memref<8192xf32, #tpu.memory_space<hbm>> -> memref<256xf32, #tpu.memory_space<hbm>>
      %dma_start3A_26 = tpu.memref_slice %arg6[%mul3A_2] : memref<8192xf32, #tpu.memory_space<hbm>> -> memref<256xf32, #tpu.memory_space<hbm>>
      tpu.enqueue_dma source(%arg12 : memref<256xf32, #tpu.memory_space<vmem>>) target(%dma_start3A_26 : memref<256xf32, #tpu.memory_space<hbm>>) target_semaphore(%run_scoped3A_25 : memref<!tpu.dma_semaphore, #tpu.memory_space<semaphore_mem>>)
      %dma_wait3A = tpu.memref_slice %arg6[%mul3A_2] : memref<8192xf32, #tpu.memory_space<hbm>> -> memref<256xf32, #tpu.memory_space<hbm>>
      %dma_wait3A_27 = tpu.memref_slice %arg6[%mul3A_2] : memref<8192xf32, #tpu.memory_space<hbm>> -> memref<256xf32, #tpu.memory_space<hbm>>
      tpu.wait_dma2 semaphore(%run_scoped3A_25 : memref<!tpu.dma_semaphore, #tpu.memory_space<semaphore_mem>>) src(%arg12 : memref<256xf32, #tpu.memory_space<vmem>>) dst(%dma_wait3A_27 : memref<256xf32, #tpu.memory_space<hbm>>)
      tpu.yield
    }) : () -> ()
    "tpu.region"() ({
      %run_scoped3A_25 = tpu.sem_alloc : memref<!tpu.dma_semaphore, #tpu.memory_space<semaphore_mem>>
      %dma_start3A = arith.constant 0 : i32
      %dma_start3A_26 = tpu.memref_slice %arg7[%add3A, %dma_start3A] : memref<32x16xi32, #tpu.memory_space<hbm>> -> memref<1x16xi32, #tpu.memory_space<hbm>>
      %dma_start3A_27 = tpu.memref_squeeze %dma_start3A_26 : memref<1x16xi32, #tpu.memory_space<hbm>> -> memref<16xi32, #tpu.memory_space<hbm>>
      %dma_start3A_28 = arith.constant 0 : i32
      %dma_start3A_29 = tpu.memref_slice %arg7[%add3A, %dma_start3A_28] : memref<32x16xi32, #tpu.memory_space<hbm>> -> memref<1x16xi32, #tpu.memory_space<hbm>>
      %dma_start3A_30 = tpu.memref_squeeze %dma_start3A_29 : memref<1x16xi32, #tpu.memory_space<hbm>> -> memref<16xi32, #tpu.memory_space<hbm>>
      tpu.enqueue_dma source(%arg13 : memref<16xi32, #tpu.memory_space<vmem>>) target(%dma_start3A_30 : memref<16xi32, #tpu.memory_space<hbm>>) target_semaphore(%run_scoped3A_25 : memref<!tpu.dma_semaphore, #tpu.memory_space<semaphore_mem>>)
      %dma_wait3A = arith.constant 0 : i32
      %dma_wait3A_31 = tpu.memref_slice %arg7[%add3A, %dma_wait3A] : memref<32x16xi32, #tpu.memory_space<hbm>> -> memref<1x16xi32, #tpu.memory_space<hbm>>
      %dma_wait3A_32 = tpu.memref_squeeze %dma_wait3A_31 : memref<1x16xi32, #tpu.memory_space<hbm>> -> memref<16xi32, #tpu.memory_space<hbm>>
      %dma_wait3A_33 = arith.constant 0 : i32
      %dma_wait3A_34 = tpu.memref_slice %arg7[%add3A, %dma_wait3A_33] : memref<32x16xi32, #tpu.memory_space<hbm>> -> memref<1x16xi32, #tpu.memory_space<hbm>>
      %dma_wait3A_35 = tpu.memref_squeeze %dma_wait3A_34 : memref<1x16xi32, #tpu.memory_space<hbm>> -> memref<16xi32, #tpu.memory_space<hbm>>
      tpu.wait_dma2 semaphore(%run_scoped3A_25 : memref<!tpu.dma_semaphore, #tpu.memory_space<semaphore_mem>>) src(%arg13 : memref<16xi32, #tpu.memory_space<vmem>>) dst(%dma_wait3A_35 : memref<16xi32, #tpu.memory_space<hbm>>)
      tpu.yield
    }) : () -> ()
    return
  }
}

</mosaic_0001>

<sc_bundles>
// kernel: _route1.3.cloned.1.call-start
scs
__scs_entry_jumppad:
0x0: {  	(pc) =	sbr.rel $0x88, $3  }
0x1: {  	(tag) =	ssettag $0x0;
	lr =	simm.s32 $0x1  }
0x2: {  	[smem:$0x3FA0] =	sst lr;
	_ =	strace $0xD0000000  }
0x3: {  	_ = 	snop  }
0x4: {  	_ = 	snop  }
0x5: {  	_ = 	snop  }
0x6: {  	_ = 	snop  }
0x7: {  	_ = 	snop  }
__scs_overlays_trampoline_lowered:
0x8: {  	[smem:$0x3FAF] =	sst s0  }
0x9: {  	[smem:$0x3FB0] =	sst s1  }
0xa: {  	[smem:$0x3FB1] =	sst s2  }
0xb: {  	[smem:$0x3FB2] =	sst s3  }
0xc: {  	[smem:$0x3FB3] =	sst s4  }
0xd: {  	[smem:$0x3FB4] =	sst s5  }
0xe: {  	[smem:$0x3FB5] =	sst s6  }
0xf: {  	[smem:$0x3FB6] =	sst s7  }
0x10: {  	[smem:$0x3FB7] =	sst s8  }
0x11: {  	[smem:$0x3FB8] =	sst s9;
	s0 =	simm.s32 @!p0 $0x0  }
0x12: {  	s1 =	sld [smem:$0x3F9E];
	s0 =	simm.s32 @p0 $0x1  }
0x13: {  	[smem:$0x3FB9] =	sst s0;
	s0 =	simm.s32 @!p1 $0x0  }
0x14: {  	s2 =	sld [smem:$0x3F9D];
	s0 =	simm.s32 @p1 $0x1  }
0x15: {  	[smem:$0x3FBA] =	sst s0;
	s0 =	simm.s32 @!p2 $0x0  }
0x16: {  	s3 =	sld [smem:$0x3FDB];
	s0 =	simm.s32 @p2 $0x1  }
0x17: {  	s4 =	simm.s32 $0x1BF5;
	[smem:$0x3FBC] =	sst s0  }
0x18: {  	s0 =	sld [smem:$0x3F9F];
	_ =	swait.ge [sflag:s4], $0x0  }
0x19: {  	s7 =	sld [smem:$0x3FA0]  }
0x1a: {  	s8 =	sadd.s32 $0xFFFFE003, lr  }
0x1b: {  	s9 =	sadd.s32 $0xFFFFFEF7, lr;
	s5 =	simm.s32 $0xFFFFFFFF;
	p2 =	slt.u32 s8, $0xFFFFF086  }
0x1c: {  	p1 =	slt.u32 s9, $0xF7A;
	s5 =	simm.s32 @!p2 $0x0  }
0x1d: {  	s5 =	simm.s32 @p1 $0x1;
	p0 =	seq.s32 s7, s2  }
0x1e: {  	s7 =	smul.u32 @!p0 $0xF7A, s2;
	p2 =	seq.s32 @!p0 s5, $0x0  }
0x1f: {  	s9 =	smul.u32 $0xF7A, s1;
	s8 =	simm.s32 @!p0 $0x1BF5;
	p2 =	por !p2, p0  }
0x20: {  	[sflag:s8] =	ssyncset.s32 @!p0 $0xFFFFF086;
	s6 =	sadd.s32 @!p0 s3, s7;
	s7 =	simm.s32 @!p0 $0x108  }
0x21: {  	s3 =	sadd.s32 s3, s9;
	s6 =	sadd.s32 @!p0 $0x88, s6;
	s7 =	simm.s32 @p2 $0x1082  }
0x22: {  	[simem:s7], [sflag:s8] =	dma.local @!p0 [hbm:s6], $0xF7A  }
0x23: {  	s9 =	sor.u32 $0xD0000000, s2;
	s6 =	simm.s32 $0x108;
	_ =	swait.ge @!p0 [sflag:s8], $0x0  }
0x24: {  	s3 =	sadd.s32 $0x88, s3;
	s6 =	simm.s32 @!p1 $0x1082;
	[sflag:s4] =	ssyncset.s32 $0xFFFFF086  }
0x25: {  	[simem:s6], [sflag:s4] =	dma.local [hbm:s3], $0xF7A  }
0x26: {  	[smem:$0x3FA0] =	sst s1;
	(tag) =	ssettag s2;
	_ =	strace s9  }
0x27: {  	s1 =	sld [smem:$0x3FB0]  }
0x28: {  	s2 =	sld [smem:$0x3FB1]  }
0x29: {  	s4 =	sld [smem:$0x3FB3]  }
0x2a: {  	p0 =	seq.s32 s5, $0x0;
	s5 =	sld [smem:$0x3FB4]  }
0x2b: {  	s6 =	sld [smem:$0x3FB5]  }
0x2c: {  	s7 =	sld [smem:$0x3FB6]  }
0x2d: {  	s3 =	simm.s32 $0x108;
	s8 =	sld [smem:$0x3FB7]  }
0x2e: {  	s3 =	simm.s32 @!p0 $0x1082;
	s9 =	sld [smem:$0x3FB8]  }
0x2f: {  	lr =	sadd.s32 s0, s3;
	s0 =	sld [smem:$0x3FAF]  }
0x30: {  	s3 =	sld [smem:$0x3FB2]  }
0x31: {  	[smem:$0x3FBB] =	sst s10  }
0x32: {  	s10 =	sld [smem:$0x3FB9];
	_ =	sdelay $0x3  }
0x33: {  	p0 =	seq.s32 s10, $0x1;
	s10 =	sld [smem:$0x3FBB];
	_ =	sdelay $0x3  }
0x34: {  	[smem:$0x3FBB] =	sst s10  }
0x35: {  	s10 =	sld [smem:$0x3FBA];
	_ =	sdelay $0x3  }
0x36: {  	p1 =	seq.s32 s10, $0x1;
	s10 =	sld [smem:$0x3FBB];
	_ =	sdelay $0x3  }
0x37: {  	[smem:$0x3FBB] =	sst s10  }
0x38: {  	s10 =	sld [smem:$0x3FBC]  }
0x39: {  	_ = 	snop;
	(pc) =	sbr.ind lr, $3  }
0x3a: {  	_ = 	snop  }
0x3b: {  	_ = 	snop  }
0x3c: {  	p2 =	seq.s32 s10, $0x1;
	s10 =	sld [smem:$0x3FBB]  }
0x3d: {  	_ =	shalt  }
0x3e: {  	_ =	shalt  }
0x3f: {  	_ =	shalt  }
0x40: {  	_ =	shalt  }
0x41: {  	_ =	shalt  }
0x42: {  	_ =	shalt  }
0x43: {  	_ =	shalt  }
0x44: {  	_ =	shalt  }
0x45: {  	_ =	shalt  }
0x46: {  	_ =	shalt  }
0x47: {  	_ =	shalt  }
0x48: {  	_ =	shalt  }
0x49: {  	_ =	shalt  }
0x4a: {  	_ =	shalt  }
0x4b: {  	_ =	shalt  }
0x4c: {  	_ =	shalt  }
0x4d: {  	_ =	shalt  }
0x4e: {  	_ =	shalt  }
0x4f: {  	_ =	shalt  }
0x50: {  	_ =	shalt  }
0x51: {  	_ =	shalt  }
0x52: {  	_ =	shalt  }
0x53: {  	_ =	shalt  }
0x54: {  	_ =	shalt  }
0x55: {  	_ =	shalt  }
0x56: {  	_ =	shalt  }
0x57: {  	_ =	shalt  }
0x58: {  	_ =	shalt  }
0x59: {  	_ =	shalt  }
0x5a: {  	_ =	shalt  }
0x5b: {  	_ =	shalt  }
0x5c: {  	_ =	shalt  }
0x5d: {  	_ =	shalt  }
0x5e: {  	_ =	shalt  }
0x5f: {  	_ =	shalt  }
0x60: {  	_ =	shalt  }
0x61: {  	_ =	shalt  }
0x62: {  	_ =	shalt  }
0x63: {  	_ =	shalt  }
0x64: {  	_ =	shalt  }
0x65: {  	_ =	shalt  }
0x66: {  	_ =	shalt  }
0x67: {  	_ =	shalt  }
0x68: {  	_ =	shalt  }
0x69: {  	_ =	shalt  }
0x6a: {  	_ =	shalt  }
0x6b: {  	_ =	shalt  }
0x6c: {  	_ =	shalt  }
0x6d: {  	_ =	shalt  }
0x6e: {  	_ =	shalt  }
0x6f: {  	_ =	shalt  }
0x70: {  	_ =	shalt  }
0x71: {  	_ =	shalt  }
0x72: {  	_ =	shalt  }
0x73: {  	_ =	shalt  }
0x74: {  	_ =	shalt  }
0x75: {  	_ =	shalt  }
0x76: {  	_ =	shalt  }
0x77: {  	_ =	shalt  }
0x78: {  	_ =	shalt  }
0x79: {  	_ =	shalt  }
0x7a: {  	_ =	shalt  }
0x7b: {  	_ =	shalt  }
0x7c: {  	_ =	shalt  }
0x7d: {  	_ =	shalt  }
0x7e: {  	_ =	shalt  }
0x7f: {  	_ =	shalt  }
0x80: {  	_ =	shalt  }
0x81: {  	_ =	shalt  }
0x82: {  	_ =	shalt  }
0x83: {  	_ =	shalt  }
0x84: {  	_ =	shalt  }
0x85: {  	_ =	shalt  }
0x86: {  	_ =	shalt  }
0x87: {  	_ =	shalt  }
.Lfunc_end0:
.L_simem_size_0:
called_computation_lowered:
.L_overlay_start_0:
0x88: {  	s2 =	sld [smem:$0x3FD9]  }
0x89: {  	s3 =	sld [smem:$0x3FFE];
	_ =	sdelay $0x1  }
0x8a: {  	s1 =	srdreg.scid  }
0x8b: {  	s0 =	sand.u32 $0x1, s1  }
0x8c: {  	s14 =	sshll.u32 s0, $0xA;
	s2 =	sadd.s32 s3, s2  }
0x8d: {  	s2 =	sadd.s32 s2, s14  }
0x8e: {  	[smem:$0x3FC7] =	sst s2  }
0x8f: {  	_ = 	snop  }
0x90: {  	s2 =	sld [smem:$0x3FD0];
	_ =	sdelay $0x2  }
0x91: {  	s4 =	simm.s32 $0xA;
	s5 =	simm.s32 $0x10;
	s15 =	sld [smem:$0x3FC9]  }
0x92: {  	[smem:s5], [sflag:s4] =	dma.local [hbm:s2], $0x1  }
0x93: {  	_ =	swait.eq [sflag:s4], $0x1  }
0x94: {  	s16 =	sld [smem:$0x10]  }
0x95: {  	s17 =	sld [smem:$0x11];
	[sflag:s4] =	ssyncset.done $0x0  }
0x96: {  	s6 =	sld [smem:$0x12];
	[sflag:s4] =	ssyncadd.s32 $0xFFFFFFFF  }
0x97: {  	s18 =	sld [smem:$0x13];
	(tm) =	ssettm $0x1  }
0x98: {  	s7 =	sld [smem:$0x3FFB];
	_ =	sdelay $0x3  }
0x99: {  	_ =	strace s7  }
0x9a: {  	s7 =	sld [smem:$0x3FFC];
	_ =	sdelay $0x3  }
0x9b: {  	_ =	strace s7  }
0x9c: {  	s7 =	sld [smem:$0x3FFD];
	_ =	sdelay $0x3  }
0x9d: {  	_ =	strace s7  }
0x9e: {  	_ =	strace $0x8FFFFFFF  }
0x9f: {  	s19 =	sld [smem:$0x3FDB];
	_ =	sdelay $0x1  }
0xa0: {  	s8 =	simm.s32 $_scs_section_size  }
0xa1: {  	s9 =	simm.s32 $_size__tile_overlayer_lowered;
	s10 =	simm.s32 $_tile_overlayer_lowered  }
0xa2: {  	s22 =	simm.s32 $0x1BFF;
	s21 =	sshll.u32 s10, $0x1;
	s7 =	sadd.s32 s8, s19  }
0xa3: {  	s11 =	simm.s32 $0x0;
	s20 =	sshll.u32 s9, $0x1;
	s9 =	sadd.s32 s21, s7  }
0xa4: {  	[timem:s11], [sflag:s22] =	dma.local [hbm:s9], s20  }
0xa5: {  	_ =	swait.ge [sflag:s22], s20  }
0xa6: {  	s8 =	ssub.s32 $0x0, s20;
	[sflag:s22] =	ssyncset.done $0x0  }
0xa7: {  	[sflag:s22] =	ssyncadd.s32 s8;
	_ =	sdelay $0x1  }
0xa8: {  	s23 =	simm.s32 $0x1B8B  }
0xa9: {  	_ =	swait.ge [sflag:s23], $0x1  }
0xaa: {  	[sflag:s23] =	ssyncset.done $0x0  }
0xab: {  	s25 =	simm.s32 $0x1B8E;
	s24 =	sld [smem:$0x3FFE];
	[sflag:s23] =	ssyncadd.s32 $0xFFFFFFFF  }
0xac: {  	s26 =	simm.s32 $execute0_lowered;
	[smem:$0x3FD2] =	sst s25  }
0xad: {  	s9 =	sshll.u32 s26, $0x1;
	_ =	strace $0x80000046;
	[dreg:$0x1] =	wrdreg $0xFFFFFFFF  }
0xae: {  	s28 =	simm.s32 $_size_execute0_lowered;
	s7 =	sadd.s32 s7, s9;
	[dreg:$0x0] =	wrdreg $0x0  }
0xaf: {  	s9 =	sshll.u32 s28, $0x1;
	[dreg:$0x2] =	wrdreg s7  }
0xb0: {  	[dreg:$0x3] =	wrdreg s9  }
0xb1: {  	[dreg:$0x4] =	wrdreg $0xC0  }
0xb2: {  	_ =	task [dreg:s11], $0x5FFFF  }
0xb3: {  	[dreg:$0x1] =	wrdreg $0xFFFFFFFF  }
0xb4: {  	[dreg:$0x0] =	wrdreg $0x60  }
0xb5: {  	[dreg:$0x2] =	wrdreg s15  }
0xb6: {  	[dreg:$0x3] =	wrdreg s16  }
0xb7: {  	[dreg:$0x4] =	wrdreg s17  }
0xb8: {  	[dreg:$0x5] =	wrdreg s6  }
0xb9: {  	[dreg:$0x6] =	wrdreg s18  }
0xba: {  	[dreg:$0x7] =	wrdreg s24  }
0xbb: {  	[dreg:$0x8] =	wrdreg $0x9  }
0xbc: {  	_ =	task.clear_ibuf [dreg:s11], $0x9FFFF;
	_ =	strace $0x90000046  }
0xbd: {  	s29 =	simm.s32 $0x9;
	_ =	strace $0x80000048  }
0xbe: {  	_ =	swait.ge [sflag:s29], $0x1  }
0xbf: {  	[sflag:s29] =	ssyncadd.s32 $0xFFFFFFFF  }
0xc0: {  	_ =	strace $0x90000048  }
0xc1: {  	_ =	sfence  }
0xc2: {  	s30 =	sld [smem:$0x0];
	_ =	sdelay $0x2  }
0xc3: {  	s31 =	sshll.u32 s1, $0xD;
	s1 =	sshrl.u32 s1, $0x2  }
0xc4: {  	s3 =	sand.u32 $0x4000, s31;
	s1 =	sadd.s32 s1, s30  }
0xc5: {  	s0 =	sor.u32 s3, s0;
	s1 =	sshll.u32 s1, $0x11  }
0xc6: {  	s0 =	sor.u32 s1, s0  }
0xc7: {  	s0 =	sadd.s32 $0x8F2B, s0  }
0xc8: {  	[sflag:s0] =	ssyncadd.remote.s32 $0x1  }
0xc9: {  	_ =	sfence.sel $0xFFFF  }
0xca: {  	[dreg:$0x0] =	wrdreg $0xFFFFFFFF;
	(pc) =	sbr.abs _section_cstart, $3  }
0xcb: {  	[dreg:$0x1] =	wrdreg $0xFFFFFFFF  }
0xcc: {  	_ =	task.clear_ibuf [dreg:s11], $0x2FFFF;
	_ =	strace $0x9FFFFFFF  }
0xcd: {  	(tm) =	ssettm $0x7FFFFFFF  }
tec
execute0_lowered:
.L_overlay_start_1:
0x0: {  	(tag) =	ssettag $0x1  }
0x1: {  	s0 =	rddreg [dreg:$0x0]  }
0x2: {  	s2 =	rddreg [dreg:$0x1]  }
0x3: {  	s11 =	rddreg [dreg:$0x2]  }
0x4: {  	s12 =	rddreg [dreg:$0x3]  }
0x5: {  	s14 =	rddreg [dreg:$0x4]  }
0x6: {  	s3 =	rddreg [dreg:$0x5];
	s1 =	simm.s32 $0x0  }
0x7: {  	s4 =	srdreg.scid;
	s7 =	stileid.u32;
	s19 =	simm.s32 $0x1  }
0x8: {  	s23 =	simm.s32 $0x800;
	s30 =	simm.s32 $0x0;
	[smem:$0x7FF] =	sst s1  }
0x9: {  	s4 =	sand.u32 $0x1, s4;
	s6 =	sshll.u32 s7, $0x4;
	_ =	strace $0x80000047  }
0xa: {  	s5 =	sshll.u32 s4, $0x4;
	s4 =	ssub.s32 $0x2, s4;
	s24 =	sand.u32 $0x70, s6  }
0xb: {  	s13 =	sor.u32 s7, s5;
	s25 =	sshrl.u32 s4, $0x1;
	s15 =	sadd.s32 s24, s3  }
0xc: {  	s7 =	sshll.u32 s13, $0x8;
	s16 =	ssub.s32 s4, s25;
	s26 =	sshll.u32 s13, $0x5  }
0xd: {  	s13 =	sshll.u32 s13, $0x4;
	s25 =	simm.s32 $0x900;
	s3 =	sadd.s32 s0, s7  }
0xe: {  	s2 =	sadd.s32 s2, s26;
	s28 =	sadd.s32 s11, s26;
	s29 =	sand.u32 $0x180, s13  }
0xf: {  	s13 =	sadd.s32 s12, s26;
	s14 =	sadd.s32 s14, s26;
	s16 =	smax.u32 s16, $0x1  }
0x10: {  	s26 =	simm.s32 $0xA00;
	s4 =	sadd.s32 $0x10, s3;
	s5 =	sadd.s32 $0x20, s3  }
0x11: {  	s6 =	sadd.s32 $0x30, s3;
	s7 =	sadd.s32 $0x40, s3;
	s8 =	sadd.s32 $0x50, s3  }
0x12: {  	v0 =	vimm.s32 $0x0;
	vm0 =	vmmov $0x1;
	s9 =	sadd.s32 $0x60, s3;
	s10 =	sadd.s32 $0x70, s3;
	[dreg:$0x7] =	wrdreg s2  }
0x13: {  	vm2 =	vcmask $0x70C;
	vm3 =	vcmask $0xB10;
	vm4 =	vcmask $0xF14;
	[dreg:$0x8] =	wrdreg s28;
	s31 =	sadd.s32 s29, s15;
	s17 =	sadd.s32 $0x80, s3  }
0x14: {  	vm5 =	vcmask $0x1318;
	vm6 =	vcmask $0x171C;
	vm7 =	vcmask $0x1B20;
	s15 =	sadd.s32 $0x800, s31;
	s21 =	sadd.s32 $0x80, s4;
	s24 =	sadd.s32 $0x80, s5  }
.LBB2_1:
0x15: {  	[tilespmem:s1], [sflag:$0x1] =	stream.linear.gather [hbm4b:s3+s1], $0x80, $0x38;
	[tilespmem:$0xC80] =	vst v63  }
0x16: {  	s0 =	simm.s32 $0x400  }
0x17: {  	[tilespmem:s0], [sflag:$0x1] =	stream.linear.gather [hbm4b:s17+s1], $0x80, $0x38;
	[tilespmem:$0xC80] =	vst v63  }
0x18: {  	_ =	swait.ge [sflag:s19], $0x100  }
0x19: {  	[sflag:s19] =	ssyncset.done $0x0  }
0x1a: {  	s18 =	simm.s32 $0x80;
	[sflag:s19] =	ssyncadd.s32 $0xFFFFFF00  }
0x1b: {  	[tilespmem:s18], [sflag:$0x1] =	stream.linear.gather [hbm4b:s4+s1], $0x80, $0x38;
	[tilespmem:$0xC80] =	vst v63  }
0x1c: {  	s20 =	simm.s32 $0x480  }
0x1d: {  	[tilespmem:s20], [sflag:$0x1] =	stream.linear.gather [hbm4b:s21+s1], $0x80, $0x38;
	[tilespmem:$0xC80] =	vst v63  }
0x1e: {  	_ =	swait.ge [sflag:s19], $0x100  }
0x1f: {  	[sflag:s19] =	ssyncset.done $0x0  }
0x20: {  	s22 =	simm.s32 $0x100;
	[sflag:s19] =	ssyncadd.s32 $0xFFFFFF00  }
0x21: {  	[tilespmem:s22], [sflag:$0x1] =	stream.linear.gather [hbm4b:s5+s1], $0x80, $0x38;
	[tilespmem:$0xC80] =	vst v63  }
0x22: {  	s2 =	simm.s32 $0x500  }
0x23: {  	[tilespmem:s2], [sflag:$0x1] =	stream.linear.gather [hbm4b:s24+s1], $0x80, $0x38;
	[tilespmem:$0xC80] =	vst v63  }
0x24: {  	_ =	swait.ge [sflag:s19], $0x100  }
0x25: {  	[sflag:s19] =	ssyncset.done $0x0  }
0x26: {  	s11 =	simm.s32 $0x180;
	[sflag:s19] =	ssyncadd.s32 $0xFFFFFF00  }
0x27: {  	[tilespmem:s11], [sflag:$0x1] =	stream.linear.gather [hbm4b:s6+s1], $0x80, $0x38;
	[tilespmem:$0xC80] =	vst v63  }
0x28: {  	s12 =	sadd.s32 $0x80, s6;
	s2 =	simm.s32 $0x580  }
0x29: {  	[tilespmem:s2], [sflag:$0x1] =	stream.linear.gather [hbm4b:s12+s1], $0x80, $0x38;
	[tilespmem:$0xC80] =	vst v63  }
0x2a: {  	_ =	swait.ge [sflag:s19], $0x100  }
0x2b: {  	[sflag:s19] =	ssyncset.done $0x0  }
0x2c: {  	s18 =	simm.s32 $0x200;
	[sflag:s19] =	ssyncadd.s32 $0xFFFFFF00  }
0x2d: {  	[tilespmem:s18], [sflag:$0x1] =	stream.linear.gather [hbm4b:s7+s1], $0x80, $0x38;
	[tilespmem:$0xC80] =	vst v63  }
0x2e: {  	s20 =	sadd.s32 $0x80, s7;
	s22 =	simm.s32 $0x600  }
0x2f: {  	[tilespmem:s22], [sflag:$0x1] =	stream.linear.gather [hbm4b:s20+s1], $0x80, $0x38;
	[tilespmem:$0xC80] =	vst v63  }
0x30: {  	_ =	swait.ge [sflag:s19], $0x100  }
0x31: {  	[sflag:s19] =	ssyncset.done $0x0  }
0x32: {  	s2 =	simm.s32 $0x280;
	[sflag:s19] =	ssyncadd.s32 $0xFFFFFF00  }
0x33: {  	[tilespmem:s2], [sflag:$0x1] =	stream.linear.gather [hbm4b:s8+s1], $0x80, $0x38;
	[tilespmem:$0xC80] =	vst v63  }
0x34: {  	s11 =	sadd.s32 $0x80, s8;
	s12 =	simm.s32 $0x680  }
0x35: {  	[tilespmem:s12], [sflag:$0x1] =	stream.linear.gather [hbm4b:s11+s1], $0x80, $0x38;
	[tilespmem:$0xC80] =	vst v63  }
0x36: {  	_ =	swait.ge [sflag:s19], $0x100  }
0x37: {  	[sflag:s19] =	ssyncset.done $0x0  }
0x38: {  	s18 =	simm.s32 $0x300;
	[sflag:s19] =	ssyncadd.s32 $0xFFFFFF00  }
0x39: {  	[tilespmem:s18], [sflag:$0x1] =	stream.linear.gather [hbm4b:s9+s1], $0x80, $0x38;
	[tilespmem:$0xC80] =	vst v63  }
0x3a: {  	s20 =	sadd.s32 $0x80, s9;
	s22 =	simm.s32 $0x700  }
0x3b: {  	[tilespmem:s22], [sflag:$0x1] =	stream.linear.gather [hbm4b:s20+s1], $0x80, $0x38;
	[tilespmem:$0xC80] =	vst v63  }
0x3c: {  	_ =	swait.ge [sflag:s19], $0x100  }
0x3d: {  	[sflag:s19] =	ssyncset.done $0x0  }
0x3e: {  	s2 =	simm.s32 $0x380;
	[sflag:s19] =	ssyncadd.s32 $0xFFFFFF00  }
0x3f: {  	[tilespmem:s2], [sflag:$0x1] =	stream.linear.gather [hbm4b:s10+s1], $0x80, $0x38;
	[tilespmem:$0xC80] =	vst v63  }
0x40: {  	s11 =	sadd.s32 $0x80, s10;
	s12 =	simm.s32 $0x780  }
0x41: {  	[tilespmem:s12], [sflag:$0x1] =	stream.linear.gather [hbm4b:s11+s1], $0x80, $0x38;
	[tilespmem:$0xC80] =	vst v63  }
0x42: {  	_ =	swait.ge [sflag:s19], $0x100  }
0x43: {  	s18 =	sand.u32 $0x70, s1;
	s20 =	sand.u32 $0x400, s1;
	[sflag:s19] =	ssyncset.done $0x0  }
0x44: {  	s0 =	sor.u32 s18, s20;
	[sflag:s19] =	ssyncadd.s32 $0xFFFFFF00  }
0x45: {  	v1 =	vld [tilespmem:s0+$0x80]  }
0x46: {  	v2 =	vld [tilespmem:s0+$0x0];
	_ =	sdelay $0x2  }
0x47: {  	v3 =	vld [tilespmem:s0+$0x100]  }
0x48: {  	vm8 =	vlt.f32 v1, $-Inf;
	vm9 =	vgt.f32 v1, $-Inf  }
0x49: {  	vm10 =	vgt.f32 v1, v2;
	vm8 =	vmor vm9, vm8  }
0x4a: {  	v5 =	vld [tilespmem:s0+$0x180];
	vm9 =	vmneg vm10;
	v4 =	vnsel vm8, $0xFF800000, v1  }
0x4b: {  	v4 =	vsel vm9, v4, v2  }
0x4c: {  	v1 =	vsel vm9, v2, v1;
	vm11 =	vgt.f32 v3, v4  }
0x4d: {  	v50 =	vld [tilespmem:s0+$0x200];
	vm12 =	vgt.f32 v3, v1;
	v2 =	vsel vm11, v3, v4  }
0x4e: {  	v2 =	vsel vm12, v1, v2  }
0x4f: {  	v1 =	vsel vm12, v3, v1;
	vm13 =	vgt.f32 v5, v2  }
0x50: {  	v3 =	vld [tilespmem:s0+$0x280];
	vm14 =	vgt.f32 v5, v1;
	v2 =	vsel vm13, v5, v2  }
0x51: {  	v2 =	vsel vm14, v1, v2  }
0x52: {  	v1 =	vsel vm14, v5, v1;
	vm1 =	vgt.f32 v50, v2  }
0x53: {  	v51 =	vld [tilespmem:s0+$0x300];
	vm9 =	vmand vm9, vm8;
	vm8 =	vgt.f32 v50, v1;
	v2 =	vsel vm1, v50, v2  }
0x54: {  	v7 =	vsel vm10, $0x1, v0;
	v2 =	vsel vm8, v1, v2  }
0x55: {  	v6 =	vsel vm9, $0x1, v0;
	v1 =	vsel vm8, v50, v1;
	vm15 =	vgt.f32 v3, v2  }
0x56: {  	v53 =	vld [tilespmem:s0+$0x380];
	v52 =	vsel vm11, $0x2, v6;
	vm11 =	vgt.f32 v3, v1;
	v2 =	vsel vm15, v3, v2  }
0x57: {  	v4 =	vsel vm12, v7, v52;
	v2 =	vsel vm11, v1, v2  }
0x58: {  	v7 =	vsel vm12, $0x2, v7;
	v1 =	vsel vm11, v3, v1;
	vm12 =	vgt.f32 v51, v2  }
0x59: {  	vm10 =	vgt.f32 v51, v1;
	v2 =	vsel vm12, v51, v2  }
0x5a: {  	v54 =	vsel vm14, $0x3, v7;
	v3 =	vsel vm13, $0x3, v4;
	v2 =	vsel vm10, v1, v2  }
0x5b: {  	v3 =	vsel vm14, v7, v3;
	v1 =	vsel vm10, v51, v1;
	vm13 =	vgt.f32 v53, v2  }
0x5c: {  	v3 =	vsel vm1, $0x4, v3;
	vm9 =	vgt.f32 v53, v1;
	v2 =	vsel vm13, v53, v2  }
0x5d: {  	v3 =	vsel vm8, v54, v3;
	v2 =	vsel vm9, v1, v2;
	v1 =	vsel vm9, v53, v1  }
0x5e: {  	v4 =	vsel vm8, $0x4, v54;
	v3 =	vsel vm15, $0x5, v3;
	v1 =	vsub.f32 v2, v1  }
0x5f: {  	v2 =	vsel vm11, v4, v3  }
0x60: {  	v3 =	vsel vm11, $0x5, v4;
	v2 =	vsel vm12, $0x6, v2;
	v1 =	vmul.f32 $1.442695020e+00, v1  }
0x61: {  	vm1 =	vcmask $0x308;
	v12 =	vmpcnt.ones.xlane vm9;
	v2 =	vsel vm10, v3, v2  }
0x62: {  	v3 =	vsel vm10, $0x6, v3;
	v2 =	vsel vm13, $0x7, v2;
	(erf) = vpow2.f32 v1  }
0x63: {  	v1 =	vsel vm9, v3, v2;
	v2 =	vsel vm9, $0x7, v3;
	vm9 =	vmneg vm9  }
0x64: {  	vm8 =	veq.s32 v1, $0x4;
	vm12 =	veq.s32 v1, $0x5;
	vm13 =	veq.s32 v1, $0x0  }
0x65: {  	vm14 =	veq.s32 v1, $0x3;
	vm15 =	veq.s32 v1, $0x1;
	vm9 =	vmand vm9, vm10  }
0x66: {  	v3 =	vmpcnt.ones.xlane vm8;
	vm8 =	veq.s32 v2, $0x1;
	v56 =	vmpcnt.ones.xlane vm12  }
0x67: {  	v58 =	vmpcnt.ones.xlane vm13;
	v55 =	vmpcnt.ones.xlane vm8;
	vm8 =	veq.s32 v2, $0x3  }
0x68: {  	v11 =	vmpcnt.ones.xlane vm15;
	v57 =	vmpcnt.ones.xlane vm8;
	vm8 =	veq.s32 v2, $0x2  }
0x69: {  	v9 =	vmpcnt.ones.xlane vm14;
	v8 =	vmpcnt.ones.xlane vm8;
	vm8 =	veq.s32 v2, $0x0  }
0x6a: {  	v59 =	vmpcnt.ones.xlane vm9;
	v4 =	vadd.s32 v55, v11;
	v10 =	vmpcnt.ones.xlane vm8  }
0x6b: {  	vm8 =	veq.s32 v1, $0x2;
	v4 =	vsel vm1, $0x0, v4;
	v6 =	vadd.s32 v57, v9;
	v14 =	vpop (erf)  }
0x6c: {  	v13 =	vmpcnt.ones.xlane vm8;
	vm8 =	veq.s32 v2, $0x4;
	v14 =	vadd.f32 $1.000000000e+00, v14  }
0x6d: {  	v6 =	vsel vm3, $0x0, v6;
	v15 =	vmpcnt.ones.xlane vm8;
	v7 =	vadd.s32 v10, v58  }
0x6e: {  	vm8 =	veq.s32 v2, $0x5;
	v7 =	vnsel vm0, $0x0, v7;
	(erf) = vrcp.f32 v14  }
0x6f: {  	v16 =	vmpcnt.ones.xlane vm8;
	v8 =	vadd.s32 v8, v13;
	v7 =	vadd.s32 v0, v7  }
0x70: {  	vm8 =	veq.s32 v1, $0x6;
	v61 =	vsel vm2, $0x0, v8;
	v4 =	vadd.s32 v4, v7  }
0x71: {  	v17 =	vmpcnt.ones.xlane vm8;
	v3 =	vadd.s32 v15, v3;
	v4 =	vadd.s32 v61, v4  }
0x72: {  	v5 =	vadd.s32 v16, v56;
	v3 =	vsel vm4, $0x0, v3;
	v4 =	vadd.s32 v6, v4  }
0x73: {  	vm8 =	veq.s32 v1, $0x7;
	v5 =	vsel vm5, $0x0, v5;
	v3 =	vadd.s32 v3, v4  }
0x74: {  	v60 =	vmpcnt.ones.xlane vm8;
	v3 =	vadd.s32 v5, v3  }
0x75: {  	s28 =	simm.s32 $0x20;
	v62 =	vadd.s32 v59, v17  }
0x76: {  	s31 =	simm.s32 $0xA10;
	s22 =	simm.s32 $0x10;
	s20 =	simm.s32 $0x80;
	[tilespmem:s23+$0x0] =	vst v2;
	v2 =	vsel vm6, $0x0, v62;
	v63 =	vadd.s32 v12, v60  }
0x77: {  	s18 =	simm.s32 $0x800;
	s29 =	sand.u32 $0x400, s20;
	s2 =	simm.s32 $0x910;
	[tilespmem:s25+$0x0] =	vst v1;
	v1 =	vadd.s32 v2, v3;
	v2 =	vsel vm7, $0x0, v63;
	v3 =	vpop (erf)  }
0x78: {  	s11 =	sand.u32 $0x70, s22;
	s22 =	simm.s32 $0xB00;
	s0 =	simm.s32 $0xB10;
	v1 =	vadd.s32 v2, v1;
	[tilespmem:s26+$0x0] =	vst v3;
	v2 =	vsub.f32 $1.000000000e+00, v3  }
.LBB2_2:
0x79: {  	s11 =	sor.u32 s11, s29;
	s18 =	sadd.s32 $0x10, s18  }
0x7a: {  	[tilespmem:s22+$0x0] =	vst v2;
	s29 =	smov.u32 s28;
	s12 =	sadd.s32 $0x10, s28;
	s22 =	smov.u32 s0  }
0x7b: {  	p0 =	sne.s32 s28, $0xF0;
	v2 =	vld [tilespmem:s11+$0x80]  }
0x7c: {  	v3 =	vld [tilespmem:s11+$0x0];
	_ =	sdelay $0x2  }
0x7d: {  	v4 =	vld [tilespmem:s11+$0x100]  }
0x7e: {  	vm8 =	vlt.f32 v2, $-Inf;
	vm9 =	vgt.f32 v2, $-Inf  }
0x7f: {  	vm10 =	vgt.f32 v2, v3;
	vm8 =	vmor vm9, vm8  }
0x80: {  	vm9 =	vmneg vm10;
	v5 =	vnsel vm8, $0xFF800000, v2;
	v6 =	vld [tilespmem:s11+$0x180]  }
0x81: {  	vm8 =	vmand vm9, vm8;
	v5 =	vsel vm9, v5, v3;
	v2 =	vsel vm9, v3, v2  }
0x82: {  	v7 =	vsel vm10, $0x1, v0;
	v3 =	vsel vm8, $0x1, v0;
	vm8 =	vgt.f32 v4, v5  }
0x83: {  	vm9 =	vgt.f32 v4, v2;
	v3 =	vsel vm8, $0x2, v3;
	v5 =	vsel vm8, v4, v5;
	v8 =	vld [tilespmem:s11+$0x200]  }
0x84: {  	v3 =	vsel vm9, v7, v3;
	v5 =	vsel vm9, v2, v5;
	v7 =	vsel vm9, $0x2, v7  }
0x85: {  	v2 =	vsel vm9, v4, v2;
	vm8 =	vgt.f32 v6, v5  }
0x86: {  	vm9 =	vgt.f32 v6, v2;
	v3 =	vsel vm8, $0x3, v3;
	v4 =	vsel vm8, v6, v5;
	v5 =	vld [tilespmem:s11+$0x280]  }
0x87: {  	v3 =	vsel vm9, v7, v3;
	v4 =	vsel vm9, v2, v4;
	v7 =	vsel vm9, $0x3, v7  }
0x88: {  	v2 =	vsel vm9, v6, v2;
	vm8 =	vgt.f32 v8, v4  }
0x89: {  	vm9 =	vgt.f32 v8, v2;
	v3 =	vsel vm8, $0x4, v3;
	v4 =	vsel vm8, v8, v4;
	v6 =	vld [tilespmem:s11+$0x300]  }
0x8a: {  	v3 =	vsel vm9, v7, v3;
	v4 =	vsel vm9, v2, v4  }
0x8b: {  	v7 =	vsel vm9, $0x4, v7;
	v2 =	vsel vm9, v8, v2;
	vm8 =	vgt.f32 v5, v4  }
0x8c: {  	vm9 =	vgt.f32 v5, v2;
	v3 =	vsel vm8, $0x5, v3;
	v4 =	vsel vm8, v5, v4  }
0x8d: {  	v8 =	vld [tilespmem:s11+$0x380];
	v3 =	vsel vm9, v7, v3;
	v4 =	vsel vm9, v2, v4  }
0x8e: {  	v2 =	vsel vm9, v5, v2;
	v5 =	vsel vm9, $0x5, v7;
	vm9 =	vgt.f32 v6, v4  }
0x8f: {  	vm8 =	vgt.f32 v6, v2;
	v3 =	vsel vm9, $0x6, v3  }
0x90: {  	v4 =	vsel vm9, v6, v4;
	v3 =	vsel vm8, v5, v3  }
0x91: {  	v4 =	vsel vm8, v2, v4;
	v5 =	vsel vm8, $0x6, v5;
	v2 =	vsel vm8, v6, v2  }
0x92: {  	vm10 =	vgt.f32 v8, v4;
	vm9 =	vgt.f32 v8, v2  }
0x93: {  	v3 =	vsel vm10, $0x7, v3;
	v4 =	vsel vm10, v8, v4;
	v6 =	vmpcnt.ones.xlane vm9  }
0x94: {  	v4 =	vsel vm9, v2, v4;
	v2 =	vsel vm9, v8, v2;
	v3 =	vsel vm9, v5, v3  }
0x95: {  	v2 =	vsub.f32 v4, v2;
	vm11 =	veq.s32 v3, $0x0  }
0x96: {  	vm10 =	veq.s32 v3, $0x2;
	vm12 =	veq.s32 v3, $0x4;
	v4 =	vsel vm9, $0x7, v5  }
0x97: {  	vm14 =	veq.s32 v3, $0x5;
	v5 =	vmpcnt.ones.xlane vm12;
	v2 =	vmul.f32 $1.442695020e+00, v2  }
0x98: {  	vm15 =	veq.s32 v3, $0x1;
	vm12 =	veq.s32 v4, $0x0;
	vm13 =	veq.s32 v4, $0x1;
	[tilespmem:s18+$0x0] =	vst v4  }
0x99: {  	vm9 =	vmneg vm9;
	vm1 =	veq.s32 v4, $0x3;
	[tilespmem:s2+$0x0] =	vst v3;
	(erf) = vpow2.f32 v2  }
0x9a: {  	v7 =	vmpcnt.ones.xlane vm14;
	v2 =	vmpcnt.ones.xlane vm13;
	vm13 =	veq.s32 v4, $0x4  }
0x9b: {  	vm14 =	veq.s32 v4, $0x2;
	v8 =	vmpcnt.ones.xlane vm1;
	vm1 =	veq.s32 v4, $0x5  }
0x9c: {  	v13 =	vmpcnt.ones.xlane vm10;
	v4 =	vmpcnt.ones.xlane vm11;
	vm11 =	veq.s32 v3, $0x3  }
0x9d: {  	vm8 =	vmand vm9, vm8;
	v9 =	vmpcnt.ones.xlane vm14;
	v10 =	vmpcnt.ones.xlane vm11  }
0x9e: {  	v12 =	vmpcnt.ones.xlane vm15;
	vm9 =	veq.s32 v3, $0x6;
	v11 =	vmpcnt.ones.xlane vm12  }
0x9f: {  	vm10 =	veq.s32 v3, $0x7;
	v9 =	vadd.s32 v9, v13;
	v14 =	vmpcnt.ones.xlane vm13  }
0xa0: {  	v3 =	vadd.s32 v11, v4;
	v4 =	vmpcnt.ones.xlane vm1;
	v11 =	vmpcnt.ones.xlane vm9  }
0xa1: {  	v9 =	vsel vm2, $0x0, v9;
	v3 =	vnsel vm0, $0x0, v3;
	v5 =	vadd.s32 v14, v5  }
0xa2: {  	v2 =	vadd.s32 v2, v12;
	v1 =	vadd.s32 v1, v3;
	v3 =	vmpcnt.ones.xlane vm8;
	v12 =	vpop (erf)  }
0xa3: {  	vm1 =	vcmask $0x308;
	v4 =	vadd.s32 v4, v7;
	v12 =	vadd.f32 $1.000000000e+00, v12  }
0xa4: {  	v2 =	vsel vm1, $0x0, v2;
	v7 =	vadd.s32 v8, v10;
	v3 =	vadd.s32 v3, v11  }
0xa5: {  	v5 =	vsel vm4, $0x0, v5;
	v7 =	vsel vm3, $0x0, v7;
	(erf) = vrcp.f32 v12  }
0xa6: {  	v1 =	vadd.s32 v2, v1;
	v2 =	vsel vm5, $0x0, v4;
	v4 =	vmpcnt.ones.xlane vm10  }
0xa7: {  	v1 =	vadd.s32 v9, v1;
	v3 =	vsel vm6, $0x0, v3  }
0xa8: {  	v1 =	vadd.s32 v7, v1;
	v4 =	vadd.s32 v6, v4  }
0xa9: {  	v1 =	vadd.s32 v5, v1  }
0xaa: {  	v1 =	vadd.s32 v2, v1  }
0xab: {  	v2 =	vsel vm7, $0x0, v4;
	v1 =	vadd.s32 v3, v1  }
.Ltmp0:
0xac: {  	v1 =	vadd.s32 v2, v1;
	(pc) =	sbr.rel @p0 .LBB2_2-.Ltmp0, $4  }
0xad: {  	_ = 	snop  }
0xae: {  	s20 =	sadd.s32 $0x80, s20;
	v2 =	vpop (erf)  }
0xaf: {  	s0 =	sadd.s32 $0x10, s0;
	s28 =	smov.u32 s12;
	[tilespmem:s31+$0x0] =	vst v2;
	v2 =	vsub.f32 $1.000000000e+00, v2;
	s31 =	sadd.s32 $0x10, s31  }
0xb0: {  	s11 =	sand.u32 $0x70, s29;
	s29 =	sand.u32 $0x400, s20;
	s2 =	sadd.s32 $0x10, s2  }
0xb1: {  	s11 =	sor.u32 s11, s29;
	[tilespmem:s22+$0x0] =	vst v2  }
0xb2: {  	v2 =	vld [tilespmem:s11+$0x80]  }
0xb3: {  	v3 =	vld [tilespmem:s11+$0x0];
	_ =	sdelay $0x2  }
0xb4: {  	v4 =	vld [tilespmem:s11+$0x100]  }
0xb5: {  	vm1 =	vlt.f32 v2, $-Inf;
	vm8 =	vgt.f32 v2, $-Inf  }
0xb6: {  	vm12 =	vgt.f32 v2, v3;
	vm1 =	vmor vm8, vm1  }
0xb7: {  	v6 =	vld [tilespmem:s11+$0x180];
	vm8 =	vmneg vm12;
	v5 =	vnsel vm1, $0xFF800000, v2  }
0xb8: {  	v5 =	vsel vm8, v5, v3  }
0xb9: {  	v2 =	vsel vm8, v3, v2;
	vm9 =	vgt.f32 v4, v5  }
0xba: {  	v42 =	vld [tilespmem:s11+$0x200];
	vm13 =	vgt.f32 v4, v2;
	v3 =	vsel vm9, v4, v5  }
0xbb: {  	v3 =	vsel vm13, v2, v3  }
0xbc: {  	v2 =	vsel vm13, v4, v2;
	vm15 =	vgt.f32 v6, v3  }
0xbd: {  	v43 =	vld [tilespmem:s11+$0x280];
	vm10 =	vgt.f32 v6, v2;
	v3 =	vsel vm15, v6, v3  }
0xbe: {  	v3 =	vsel vm10, v2, v3  }
0xbf: {  	v2 =	vsel vm10, v6, v2;
	vm14 =	vgt.f32 v42, v3  }
0xc0: {  	v45 =	vld [tilespmem:s11+$0x300];
	vm11 =	vgt.f32 v42, v2;
	v3 =	vsel vm14, v42, v3  }
0xc1: {  	v44 =	vimm.s32 $0x0;
	v3 =	vsel vm11, v2, v3  }
0xc2: {  	v6 =	vsel vm14, $0xFFFFFFFF, v44;
	v2 =	vsel vm11, v42, v2;
	vm14 =	vgt.f32 v43, v3  }
0xc3: {  	v46 =	vld [tilespmem:s11+$0x380];
	vm8 =	vmand vm8, vm1;
	vm1 =	vgt.f32 v43, v2;
	v3 =	vsel vm14, v43, v3  }
0xc4: {  	v8 =	vsel vm12, $0x1, v0;
	[tilespmem:$0x1FFF0] =	vst v6;
	v3 =	vsel vm1, v2, v3  }
0xc5: {  	v7 =	vsel vm8, $0x1, v0;
	v50 =	vld [tilespmem:$0x1FFF0];
	v2 =	vsel vm1, v43, v2;
	vm12 =	vgt.f32 v45, v3  }
0xc6: {  	v47 =	vsel vm9, $0x2, v7;
	vm8 =	vgt.f32 v45, v2;
	v3 =	vsel vm12, v45, v3  }
0xc7: {  	v48 =	vsel vm13, $0x2, v8;
	v4 =	vsel vm13, v8, v47;
	v3 =	vsel vm8, v2, v3  }
0xc8: {  	v4 =	vsel vm15, $0x3, v4;
	v2 =	vsel vm8, v45, v2;
	vm13 =	vgt.f32 v46, v3  }
0xc9: {  	v4 =	vsel vm10, v48, v4;
	vm9 =	vgt.f32 v46, v2;
	v3 =	vsel vm13, v46, v3  }
0xca: {  	vm15 =	vnez.u8 v50;
	v3 =	vsel vm9, v2, v3;
	v2 =	vsel vm9, v46, v2  }
0xcb: {  	v49 =	vsel vm10, $0x3, v48;
	v4 =	vsel vm15, $0x4, v4;
	v2 =	vsub.f32 v3, v2  }
0xcc: {  	v3 =	vsel vm11, v49, v4  }
0xcd: {  	v51 =	vsel vm11, $0x4, v49;
	v3 =	vsel vm14, $0x5, v3;
	v2 =	vmul.f32 $1.442695020e+00, v2  }
0xce: {  	v3 =	vsel vm1, v51, v3  }
0xcf: {  	v4 =	vsel vm1, $0x5, v51;
	v3 =	vsel vm12, $0x6, v3;
	(erf) = vpow2.f32 v2  }
0xd0: {  	v2 =	vsel vm8, v4, v3  }
0xd1: {  	v3 =	vsel vm8, $0x6, v4;
	v2 =	vsel vm13, $0x7, v2  }
0xd2: {  	v9 =	vmpcnt.ones.xlane vm9;
	v2 =	vsel vm9, v3, v2  }
0xd3: {  	v3 =	vsel vm9, $0x7, v3;
	vm9 =	vmneg vm9;
	vm1 =	veq.s32 v2, $0x4  }
0xd4: {  	vm15 =	veq.s32 v3, $0x1;
	vm12 =	veq.s32 v2, $0x0;
	vm8 =	vmand vm9, vm8  }
0xd5: {  	vm13 =	veq.s32 v2, $0x1;
	vm14 =	veq.s32 v3, $0x4;
	v52 =	vmpcnt.ones.xlane vm1  }
0xd6: {  	vm1 =	veq.s32 v2, $0x5;
	v53 =	vmpcnt.ones.xlane vm15;
	v56 =	vmpcnt.ones.xlane vm12  }
0xd7: {  	v14 =	vmpcnt.ones.xlane vm13;
	v57 =	vmpcnt.ones.xlane vm14;
	vm15 =	veq.s32 v2, $0x6  }
0xd8: {  	v18 =	vmpcnt.ones.xlane vm8;
	v54 =	vmpcnt.ones.xlane vm1;
	vm1 =	veq.s32 v3, $0x3;
	v12 =	vpop (erf)  }
0xd9: {  	v55 =	vmpcnt.ones.xlane vm1;
	vm1 =	veq.s32 v3, $0x2;
	v12 =	vadd.f32 $1.000000000e+00, v12  }
0xda: {  	v17 =	vmpcnt.ones.xlane vm15;
	v10 =	vmpcnt.ones.xlane vm1;
	vm1 =	veq.s32 v2, $0x3  }
0xdb: {  	v11 =	vmpcnt.ones.xlane vm1;
	vm1 =	veq.s32 v3, $0x0;
	(erf) = vrcp.f32 v12  }
0xdc: {  	v5 =	vadd.s32 v53, v14;
	v13 =	vmpcnt.ones.xlane vm1;
	vm1 =	veq.s32 v2, $0x2  }
0xdd: {  	v4 =	vadd.s32 v57, v52;
	v15 =	vmpcnt.ones.xlane vm1;
	vm1 =	veq.s32 v3, $0x5  }
0xde: {  	v16 =	vmpcnt.ones.xlane vm1;
	vm1 =	veq.s32 v2, $0x7;
	v8 =	vadd.s32 v13, v56  }
0xdf: {  	v19 =	vmpcnt.ones.xlane vm1;
	v8 =	vnsel vm0, $0x0, v8;
	vm1 =	vcmask $0x308  }
0xe0: {  	v10 =	vadd.s32 v10, v15;
	v1 =	vadd.s32 v1, v8;
	v5 =	vsel vm1, $0x0, v5  }
0xe1: {  	v7 =	vadd.s32 v55, v11;
	v58 =	vsel vm2, $0x0, v10;
	v1 =	vadd.s32 v5, v1  }
0xe2: {  	v61 =	vadd.s32 v18, v17;
	v60 =	vsel vm3, $0x0, v7;
	v1 =	vadd.s32 v58, v1  }
0xe3: {  	s20 =	sadd.s32 $0x10, s18;
	v4 =	vsel vm4, $0x0, v4;
	v59 =	vadd.s32 v16, v54;
	v1 =	vadd.s32 v60, v1  }
0xe4: {  	[tilespmem:s20+$0x0] =	vst v3;
	v62 =	vsel vm6, $0x0, v61;
	v3 =	vsel vm5, $0x0, v59;
	v1 =	vadd.s32 v4, v1;
	v63 =	vpop (erf)  }
0xe5: {  	[tilespmem:s2+$0x0] =	vst v2;
	v2 =	vadd.s32 v9, v19;
	v1 =	vadd.s32 v3, v1;
	v3 =	vsub.f32 $1.000000000e+00, v63  }
0xe6: {  	v2 =	vsel vm7, $0x0, v2;
	v1 =	vadd.s32 v62, v1;
	[tilespmem:s31+$0x0] =	vst v63  }
0xe7: {  	v1 =	vadd.s32 v2, v1;
	[tilespmem:s0+$0x0] =	vst v3  }
0xe8: {  	s22 =	rddreg [dreg:$0x7];
	[tilespmem:$0xC00] =	vst v1  }
0xe9: {  	[hbm4b:s22+s1] =	stream.linear.scatter [tilespmem:s23], [sflag:$0x1], $0x100, $0x38;
	[tilespmem:$0xC80] =	vst v63  }
0xea: {  	_ =	swait.ge [sflag:s19], $0x100  }
0xeb: {  	[sflag:s19] =	ssyncset.done $0x0  }
0xec: {  	s28 =	rddreg [dreg:$0x8];
	[sflag:s19] =	ssyncadd.s32 $0xFFFFFF00  }
0xed: {  	[hbm4b:s28+s1] =	stream.linear.scatter [tilespmem:s25], [sflag:$0x1], $0x100, $0x38;
	[tilespmem:$0xC80] =	vst v63  }
0xee: {  	_ =	swait.ge [sflag:s19], $0x100  }
0xef: {  	[sflag:s19] =	ssyncset.done $0x0  }
0xf0: {  	[sflag:s19] =	ssyncadd.s32 $0xFFFFFF00  }
0xf1: {  	[hbm4b:s13+s1] =	stream.linear.scatter [tilespmem:s26], [sflag:$0x1], $0x100, $0x38;
	[tilespmem:$0xC80] =	vst v63  }
0xf2: {  	_ =	swait.ge [sflag:s19], $0x100  }
0xf3: {  	[sflag:s19] =	ssyncset.done $0x0  }
0xf4: {  	s29 =	simm.s32 $0xB00;
	[sflag:s19] =	ssyncadd.s32 $0xFFFFFF00  }
0xf5: {  	[hbm4b:s14+s1] =	stream.linear.scatter [tilespmem:s29], [sflag:$0x1], $0x100, $0x38;
	[tilespmem:$0xC80] =	vst v63  }
0xf6: {  	s30 =	sadd.s32 $0x1, s30;
	_ =	swait.ge [sflag:s19], $0x100  }
0xf7: {  	p0 =	sne.s32 s30, s16;
	[sflag:s19] =	ssyncset.done $0x0  }
.Ltmp1:
0xf8: {  	s31 =	simm.s32 $0xC00;
	[sflag:s19] =	ssyncadd.s32 $0xFFFFFF00;
	(pc) =	sbr.rel @p0 .LBB2_1-.Ltmp1, $4  }
0xf9: {  	[hbm4b:s15+s1] =	stream.linear.scatter [tilespmem:s31], [sflag:$0x1], $0x80, $0x38;
	[tilespmem:$0xC80] =	vst v63  }
0xfa: {  	_ =	swait.ge [sflag:s19], $0x80  }
0xfb: {  	[sflag:s19] =	ssyncset.done $0x0  }
0xfc: {  	[sflag:s19] =	ssyncadd.s32 $0xFFFFFF80  }
0xfd: {  	_ =	sfence.sel $0x180000  }
0xfe: {  	[bflag:$0x0] =	sbarrier.arrive $0xFFFF  }
0xff: {  	_ =	strace $0x90000047  }
0x100: {  	s0 =	stileid.u32;
	[bflag:$0x2] =	sbarrier.arrive $0xFFFF  }
0x101: {  	p0 =	sne.s32 s0, $0x0;
	s0 =	rddreg [dreg:$0x6]  }
0x102: {  	s0 =	sadd.s32 @!p0 $0x100000, s0  }
0x103: {  	[sflag:s0] =	ssyncadd.tile.s32 @!p0 $0x1;
	_ =	shalt  }
.Lfunc_end2:
_tile_overlayer_lowered:
.L_overlay_start_2:
0x104: {  	(tag) =	ssettag $0x2  }
0x105: {  	s0 =	rddreg [dreg:$0x0];
	s2 =	stileid.u32  }
0x106: {  	s1 =	rddreg [dreg:$0x1];
	p0 =	sne.s32 s2, $0x0  }
0x107: {  	s3 =	rddreg [dreg:$0x2];
	[bflag:$0x3] =	sbarrier.arrive $0xFFFF;
	s2 =	simm.s32 @!p0 $0x1C01  }
0x108: {  	[timem:s3], [sflag:s2] =	dma.local @!p0 [hbm:s0], s1  }
0x109: {  	s0 =	simm.s32 @!p0 $0x1  }
0x10a: {  	_ =	swait.ge @!p0 [sflag:s0], s1  }
0x10b: {  	s1 =	ssub.s32 @!p0 $0x0, s1;
	[sflag:s0] =	ssyncset.done @!p0 $0x0  }
0x10c: {  	[sflag:s0] =	ssyncadd.s32 @!p0 s1  }
0x10d: {  	[bflag:$0x3] =	sbarrier.arrive $0xFFFF  }
0x10e: {  	_ =	shalt  }

</sc_bundles>
